<compile_context>
chip_gen: v7x
topology: tpu7x:2x2x1
jax: 0.10.2.dev20260603
libtpu: 0.0.44.dev20260713+nightly
codegen_flags: <defaults>
</compile_context>

<pallas_src>
import jax
import jax.numpy as jnp
from jax import lax
from jax.experimental import pallas as pl
from jax.experimental.pallas import tpu as pltpu
from jax.experimental.pallas import tpu_sc as plsc

HIDDEN = 64
NUM_CORES = 2
NUM_SUBCORES = 16
NUM_WORKERS = NUM_CORES * NUM_SUBCORES
CHUNK = 400
NBUF = 4


def _gather_body(idx_hbm, table_hbm, out_hbm, *refs):
    idx_bufs = refs[0:NBUF]
    row_bufs = refs[NBUF:2 * NBUF]
    g_sems = refs[2 * NBUF:3 * NBUF]
    o_sems = refs[3 * NBUF:4 * NBUF]

    wid = lax.axis_index("s") * NUM_CORES + lax.axis_index("c")
    b_per_w = idx_hbm.shape[0] // NUM_WORKERS
    n_chunks = b_per_w // NBUF // CHUNK * NBUF
    w_base = wid * b_per_w

    def start_gather(c, b):
        pltpu.sync_copy(idx_hbm.at[pl.ds(w_base + c * CHUNK, CHUNK)],
                        idx_bufs[b])
        pltpu.async_copy(table_hbm.at[idx_bufs[b]], row_bufs[b], g_sems[b])

    def wait_gather(b):
        pltpu.make_async_copy(table_hbm.at[idx_bufs[b]], row_bufs[b],
                              g_sems[b]).wait()

    def start_write(c, b):
        pltpu.async_copy(row_bufs[b],
                         out_hbm.at[pl.ds(w_base + c * CHUNK, CHUNK)],
                         o_sems[b])

    def wait_write(c, b):
        pltpu.make_async_copy(row_bufs[b],
                              out_hbm.at[pl.ds(w_base + c * CHUNK, CHUNK)],
                              o_sems[b]).wait()

    start_gather(0, 0)
    start_gather(1, 1)

    def outer(j, carry):
        for b in range(NBUF):
            c = j * NBUF + b
            b2 = (b + 2) % NBUF

            @pl.when(c + 2 < n_chunks)
            def _prefetch():
                @pl.when(c >= 2)
                def _drain():
                    wait_write(c - 2, b2)
                start_gather(c + 2, b2)

            wait_gather(b)
            start_write(c, b)
        return carry

    lax.fori_loop(0, n_chunks // NBUF, outer, 0)

    for b in range(NBUF):
        wait_write(n_chunks - NBUF + b, b)


def kernel(inputs, weight):
    batch, length = inputs.shape
    total = batch * length
    flat_idx = inputs.reshape(total).astype(jnp.int32)
    mesh = plsc.VectorSubcoreMesh(core_axis_name="c", subcore_axis_name="s")
    scratch = ([pltpu.VMEM((CHUNK,), jnp.int32) for _ in range(NBUF)]
               + [pltpu.VMEM((CHUNK, HIDDEN), jnp.float32) for _ in range(NBUF)]
               + [pltpu.SemaphoreType.DMA for _ in range(2 * NBUF)])
    k = pl.kernel(
        _gather_body,
        mesh=mesh,
        out_type=jax.ShapeDtypeStruct((total, HIDDEN), jnp.float32),
        scratch_types=scratch,
        compiler_params=pltpu.CompilerParams(use_tc_tiling_on_sc=False),
    )
    out = k(flat_idx, weight)
    return out.reshape(batch, length, HIDDEN)

# --- scband reference (transcript-rebuilt; emitter-appended) ---
"""Pipeline reference for scband-embeddings-4698694222103 (READ-ONLY COPY).

The authoritative reference and input builder live on the scoring server;
editing this copy changes nothing except your own understanding.
"""

import jax, jax.numpy as jnp
import numpy as np

VOCAB_SIZE = 1000000
HIDDEN_SIZE = 64
BATCH = 4096
LENGTH = 200

def setup_inputs(seed: int = 0) -> dict:
    key = jax.random.key(seed)
    k_ids, k_w = jax.random.split(key)
    inputs = jax.random.randint(k_ids, (BATCH, LENGTH), 0, VOCAB_SIZE, dtype=jnp.int64 if jax.config.jax_enable_x64 else jnp.int32)
    # truncated-normal-ish init with stddev = hidden_size ** -0.5
    stddev = HIDDEN_SIZE ** (-0.5)
    weight = jax.random.truncated_normal(k_w, -2.0, 2.0, (VOCAB_SIZE, HIDDEN_SIZE), dtype=jnp.float32) * stddev
    return {"inputs": inputs, "weight": weight}

def reference(inputs, weight):
    # mode == 'embedding': tf.gather(self.weight, input_ids)
    return jnp.take(weight, inputs, axis=0)

if __name__ == "__main__":
    import jax
    _d = setup_inputs()
    print(jax.jit(kernel)(*tuple(_d.values())))

</pallas_src>

<mosaic_0001>
#map = affine_map<(d0, d1) -> (0)>
#map1 = affine_map<(d0, d1) -> (0, 0)>
module attributes {stable_mosaic.version = 14 : i64} {
  func.func @_gather_body(%arg0: i32, %arg1: i32, %arg2: memref<819200xi32, #tpu.memory_space<hbm>>, %arg3: memref<1000000x64xf32, #tpu.memory_space<hbm>>, %arg4: memref<819200x64xf32, #tpu.memory_space<hbm>>, %arg5: memref<400xi32, #tpu.memory_space<vmem>>, %arg6: memref<400xi32, #tpu.memory_space<vmem>>, %arg7: memref<400xi32, #tpu.memory_space<vmem>>, %arg8: memref<400xi32, #tpu.memory_space<vmem>>, %arg9: memref<400x64xf32, #tpu.memory_space<vmem>>, %arg10: memref<400x64xf32, #tpu.memory_space<vmem>>, %arg11: memref<400x64xf32, #tpu.memory_space<vmem>>, %arg12: memref<400x64xf32, #tpu.memory_space<vmem>>, %arg13: memref<!tpu.dma_semaphore, #tpu.memory_space<semaphore_mem>>, %arg14: memref<!tpu.dma_semaphore, #tpu.memory_space<semaphore_mem>>, %arg15: memref<!tpu.dma_semaphore, #tpu.memory_space<semaphore_mem>>, %arg16: memref<!tpu.dma_semaphore, #tpu.memory_space<semaphore_mem>>, %arg17: memref<!tpu.dma_semaphore, #tpu.memory_space<semaphore_mem>>, %arg18: memref<!tpu.dma_semaphore, #tpu.memory_space<semaphore_mem>>, %arg19: memref<!tpu.dma_semaphore, #tpu.memory_space<semaphore_mem>>, %arg20: memref<!tpu.dma_semaphore, #tpu.memory_space<semaphore_mem>>) attributes {dimension_semantics = [#tpu.dimension_semantics<core_parallel>, #tpu.dimension_semantics<subcore_parallel>], iteration_bounds = array<i64: 2, 16>, scalar_prefetch = 0 : i64, scratch_operands = 16 : i64, tpu.core_type = #tpu.core_type<sc_vector_subcore>, window_params = [{transform_indices = #map}, {transform_indices = #map1}, {transform_indices = #map1}]} {
    %mul3A = arith.constant 2 : i32
    %mul3A_0 = arith.muli %arg1, %mul3A : i32
    %add3A = arith.addi %mul3A_0, %arg0 : i32
    %mul3A_1 = arith.constant 25600 : i32
    %mul3A_2 = arith.muli %add3A, %mul3A_1 : i32
    %add3A_3 = arith.constant 0 : i32
    %add3A_4 = arith.addi %mul3A_2, %add3A_3 : i32
    "tpu.region"() ({
      %run_scoped3A = tpu.sem_alloc : memref<!tpu.dma_semaphore, #tpu.memory_space<semaphore_mem>>
      %dma_start3A_40 = tpu.memref_slice %arg2[%add3A_4] : memref<819200xi32, #tpu.memory_space<hbm>> -> memref<400xi32, #tpu.memory_space<hbm>>
      %dma_start3A_41 = tpu.memref_slice %arg2[%add3A_4] : memref<819200xi32, #tpu.memory_space<hbm>> -> memref<400xi32, #tpu.memory_space<hbm>>
      tpu.enqueue_dma source(%dma_start3A_41 : memref<400xi32, #tpu.memory_space<hbm>>) target(%arg5 : memref<400xi32, #tpu.memory_space<vmem>>) target_semaphore(%run_scoped3A : memref<!tpu.dma_semaphore, #tpu.memory_space<semaphore_mem>>)
      %dma_wait3A_42 = tpu.memref_slice %arg2[%add3A_4] : memref<819200xi32, #tpu.memory_space<hbm>> -> memref<400xi32, #tpu.memory_space<hbm>>
      %dma_wait3A_43 = tpu.memref_slice %arg2[%add3A_4] : memref<819200xi32, #tpu.memory_space<hbm>> -> memref<400xi32, #tpu.memory_space<hbm>>
      tpu.wait_dma2 semaphore(%run_scoped3A : memref<!tpu.dma_semaphore, #tpu.memory_space<semaphore_mem>>) src(%dma_wait3A_43 : memref<400xi32, #tpu.memory_space<hbm>>) dst(%arg5 : memref<400xi32, #tpu.memory_space<vmem>>)
      tpu.yield
    }) : () -> ()
    %dma_start3A = arith.constant 0 : i32
    %dma_start3A_5 = arith.constant 0 : i32
    %dma_start3A_6 = tpu.memref_slice %arg3[%dma_start3A, %dma_start3A_5] : memref<1000000x64xf32, #tpu.memory_space<hbm>> -> memref<1000000x64xf32, #tpu.memory_space<hbm>>
    tpu.enqueue_indirect_dma source(%dma_start3A_6 : memref<1000000x64xf32, #tpu.memory_space<hbm>>) target(%arg9 : memref<400x64xf32, #tpu.memory_space<vmem>>) offsets(%arg5 : memref<400xi32, #tpu.memory_space<vmem>>) semaphore(%arg13 : memref<!tpu.dma_semaphore, #tpu.memory_space<semaphore_mem>>)
    %add3A_7 = arith.constant 400 : i32
    %add3A_8 = arith.addi %mul3A_2, %add3A_7 : i32
    "tpu.region"() ({
      %run_scoped3A = tpu.sem_alloc : memref<!tpu.dma_semaphore, #tpu.memory_space<semaphore_mem>>
      %dma_start3A_40 = tpu.memref_slice %arg2[%add3A_8] : memref<819200xi32, #tpu.memory_space<hbm>> -> memref<400xi32, #tpu.memory_space<hbm>>
      %dma_start3A_41 = tpu.memref_slice %arg2[%add3A_8] : memref<819200xi32, #tpu.memory_space<hbm>> -> memref<400xi32, #tpu.memory_space<hbm>>
      tpu.enqueue_dma source(%dma_start3A_41 : memref<400xi32, #tpu.memory_space<hbm>>) target(%arg6 : memref<400xi32, #tpu.memory_space<vmem>>) target_semaphore(%run_scoped3A : memref<!tpu.dma_semaphore, #tpu.memory_space<semaphore_mem>>)
      %dma_wait3A_42 = tpu.memref_slice %arg2[%add3A_8] : memref<819200xi32, #tpu.memory_space<hbm>> -> memref<400xi32, #tpu.memory_space<hbm>>
      %dma_wait3A_43 = tpu.memref_slice %arg2[%add3A_8] : memref<819200xi32, #tpu.memory_space<hbm>> -> memref<400xi32, #tpu.memory_space<hbm>>
      tpu.wait_dma2 semaphore(%run_scoped3A : memref<!tpu.dma_semaphore, #tpu.memory_space<semaphore_mem>>) src(%dma_wait3A_43 : memref<400xi32, #tpu.memory_space<hbm>>) dst(%arg6 : memref<400xi32, #tpu.memory_space<vmem>>)
      tpu.yield
    }) : () -> ()
    %dma_start3A_9 = arith.constant 0 : i32
    %dma_start3A_10 = arith.constant 0 : i32
    %dma_start3A_11 = tpu.memref_slice %arg3[%dma_start3A_9, %dma_start3A_10] : memref<1000000x64xf32, #tpu.memory_space<hbm>> -> memref<1000000x64xf32, #tpu.memory_space<hbm>>
    tpu.enqueue_indirect_dma source(%dma_start3A_11 : memref<1000000x64xf32, #tpu.memory_space<hbm>>) target(%arg10 : memref<400x64xf32, #tpu.memory_space<vmem>>) offsets(%arg6 : memref<400xi32, #tpu.memory_space<vmem>>) semaphore(%arg14 : memref<!tpu.dma_semaphore, #tpu.memory_space<semaphore_mem>>)
    %scan3A = arith.constant 0 : i32
    %scan3A_12 = arith.constant 0 : i32
    %scan3A_13 = arith.constant 16 : i32
    %scan3A_14 = arith.addi %scan3A_12, %scan3A_13 : i32
    %scan3A_15 = arith.constant 1 : i32
    scf.for %scan3A_40 = %scan3A_12 to %scan3A_14 step %scan3A_15  : i32 {
      %mul3A_41 = arith.constant 4 : i32
      %mul3A_42 = arith.muli %scan3A_40, %mul3A_41 : i32
      %add3A_43 = arith.constant 0 : i32
      %add3A_44 = arith.addi %mul3A_42, %add3A_43 : i32
      %add3A_45 = arith.constant 2 : i32
      %add3A_46 = arith.addi %add3A_44, %add3A_45 : i32
      %lt3A = arith.constant 64 : i32
      %lt3A_47 = arith.cmpi slt, %add3A_46, %lt3A : i32
      %convert_element_type3A = arith.extui %lt3A_47 : i1 to i32
      %cond3A = arith.constant 0 : i32
      %cond3A_48 = arith.cmpi ne, %convert_element_type3A, %cond3A : i32
      scf.if %cond3A_48 {
        %ge3A = arith.constant 2 : i32
        %ge3A_122 = arith.cmpi sge, %add3A_44, %ge3A : i32
        %convert_element_type3A_123 = arith.extui %ge3A_122 : i1 to i32
        %cond3A_124 = arith.constant 0 : i32
        %cond3A_125 = arith.cmpi ne, %convert_element_type3A_123, %cond3A_124 : i32
        scf.if %cond3A_125 {
          %sub3A = arith.constant 2 : i32
          %sub3A_134 = arith.subi %add3A_44, %sub3A : i32
          %mul3A_135 = arith.constant 400 : i32
          %mul3A_136 = arith.muli %sub3A_134, %mul3A_135 : i32
          %add3A_137 = arith.addi %mul3A_2, %mul3A_136 : i32
          %dma_wait3A_138 = arith.constant 0 : i32
          %dma_wait3A_139 = tpu.memref_slice %arg4[%add3A_137, %dma_wait3A_138] : memref<819200x64xf32, #tpu.memory_space<hbm>> -> memref<400x64xf32, #tpu.memory_space<hbm>>
          %dma_wait3A_140 = arith.constant 0 : i32
          %dma_wait3A_141 = tpu.memref_slice %arg4[%add3A_137, %dma_wait3A_140] : memref<819200x64xf32, #tpu.memory_space<hbm>> -> memref<400x64xf32, #tpu.memory_space<hbm>>
          tpu.wait_dma2 semaphore(%arg19 : memref<!tpu.dma_semaphore, #tpu.memory_space<semaphore_mem>>) src(%arg11 : memref<400x64xf32, #tpu.memory_space<vmem>>) dst(%dma_wait3A_141 : memref<400x64xf32, #tpu.memory_space<hbm>>)
        } else {
        }
        %add3A_126 = arith.constant 2 : i32
        %add3A_127 = arith.addi %add3A_44, %add3A_126 : i32
        %mul3A_128 = arith.constant 400 : i32
        %mul3A_129 = arith.muli %add3A_127, %mul3A_128 : i32
        %add3A_130 = arith.addi %mul3A_2, %mul3A_129 : i32
        "tpu.region"() ({
          %run_scoped3A = tpu.sem_alloc : memref<!tpu.dma_semaphore, #tpu.memory_space<semaphore_mem>>
          %dma_start3A_134 = tpu.memref_slice %arg2[%add3A_130] : memref<819200xi32, #tpu.memory_space<hbm>> -> memref<400xi32, #tpu.memory_space<hbm>>
          %dma_start3A_135 = tpu.memref_slice %arg2[%add3A_130] : memref<819200xi32, #tpu.memory_space<hbm>> -> memref<400xi32, #tpu.memory_space<hbm>>
          tpu.enqueue_dma source(%dma_start3A_135 : memref<400xi32, #tpu.memory_space<hbm>>) target(%arg7 : memref<400xi32, #tpu.memory_space<vmem>>) target_semaphore(%run_scoped3A : memref<!tpu.dma_semaphore, #tpu.memory_space<semaphore_mem>>)
          %dma_wait3A_136 = tpu.memref_slice %arg2[%add3A_130] : memref<819200xi32, #tpu.memory_space<hbm>> -> memref<400xi32, #tpu.memory_space<hbm>>
          %dma_wait3A_137 = tpu.memref_slice %arg2[%add3A_130] : memref<819200xi32, #tpu.memory_space<hbm>> -> memref<400xi32, #tpu.memory_space<hbm>>
          tpu.wait_dma2 semaphore(%run_scoped3A : memref<!tpu.dma_semaphore, #tpu.memory_space<semaphore_mem>>) src(%dma_wait3A_137 : memref<400xi32, #tpu.memory_space<hbm>>) dst(%arg7 : memref<400xi32, #tpu.memory_space<vmem>>)
          tpu.yield
        }) : () -> ()
        %dma_start3A_131 = arith.constant 0 : i32
        %dma_start3A_132 = arith.constant 0 : i32
        %dma_start3A_133 = tpu.memref_slice %arg3[%dma_start3A_131, %dma_start3A_132] : memref<1000000x64xf32, #tpu.memory_space<hbm>> -> memref<1000000x64xf32, #tpu.memory_space<hbm>>
        tpu.enqueue_indirect_dma source(%dma_start3A_133 : memref<1000000x64xf32, #tpu.memory_space<hbm>>) target(%arg11 : memref<400x64xf32, #tpu.memory_space<vmem>>) offsets(%arg7 : memref<400xi32, #tpu.memory_space<vmem>>) semaphore(%arg15 : memref<!tpu.dma_semaphore, #tpu.memory_space<semaphore_mem>>)
      } else {
      }
      %dma_wait3A_49 = arith.constant 0 : i32
      %dma_wait3A_50 = arith.constant 0 : i32
      %dma_wait3A_51 = tpu.memref_slice %arg3[%dma_wait3A_49, %dma_wait3A_50] : memref<1000000x64xf32, #tpu.memory_space<hbm>> -> memref<1000000x64xf32, #tpu.memory_space<hbm>>
      tpu.wait_indirect_dma semaphore(%arg13 : memref<!tpu.dma_semaphore, #tpu.memory_space<semaphore_mem>>) src(%dma_wait3A_51 : memref<1000000x64xf32, #tpu.memory_space<hbm>>) dst(%arg9 : memref<400x64xf32, #tpu.memory_space<vmem>>)
      %mul3A_52 = arith.constant 400 : i32
      %mul3A_53 = arith.muli %add3A_44, %mul3A_52 : i32
      %add3A_54 = arith.addi %mul3A_2, %mul3A_53 : i32
      %dma_start3A_55 = arith.constant 0 : i32
      %dma_start3A_56 = tpu.memref_slice %arg4[%add3A_54, %dma_start3A_55] : memref<819200x64xf32, #tpu.memory_space<hbm>> -> memref<400x64xf32, #tpu.memory_space<hbm>>
      %dma_start3A_57 = arith.constant 0 : i32
      %dma_start3A_58 = tpu.memref_slice %arg4[%add3A_54, %dma_start3A_57] : memref<819200x64xf32, #tpu.memory_space<hbm>> -> memref<400x64xf32, #tpu.memory_space<hbm>>
      tpu.enqueue_dma source(%arg9 : memref<400x64xf32, #tpu.memory_space<vmem>>) target(%dma_start3A_58 : memref<400x64xf32, #tpu.memory_space<hbm>>) target_semaphore(%arg17 : memref<!tpu.dma_semaphore, #tpu.memory_space<semaphore_mem>>)
      %mul3A_59 = arith.constant 4 : i32
      %mul3A_60 = arith.muli %scan3A_40, %mul3A_59 : i32
      %add3A_61 = arith.constant 1 : i32
      %add3A_62 = arith.addi %mul3A_60, %add3A_61 : i32
      %add3A_63 = arith.constant 2 : i32
      %add3A_64 = arith.addi %add3A_62, %add3A_63 : i32
      %lt3A_65 = arith.constant 64 : i32
      %lt3A_66 = arith.cmpi slt, %add3A_64, %lt3A_65 : i32
      %convert_element_type3A_67 = arith.extui %lt3A_66 : i1 to i32
      %cond3A_68 = arith.constant 0 : i32
      %cond3A_69 = arith.cmpi ne, %convert_element_type3A_67, %cond3A_68 : i32
      scf.if %cond3A_69 {
        %ge3A = arith.constant 2 : i32
        %ge3A_122 = arith.cmpi sge, %add3A_62, %ge3A : i32
        %convert_element_type3A_123 = arith.extui %ge3A_122 : i1 to i32
        %cond3A_124 = arith.constant 0 : i32
        %cond3A_125 = arith.cmpi ne, %convert_element_type3A_123, %cond3A_124 : i32
        scf.if %cond3A_125 {
          %sub3A = arith.constant 2 : i32
          %sub3A_134 = arith.subi %add3A_62, %sub3A : i32
          %mul3A_135 = arith.constant 400 : i32
          %mul3A_136 = arith.muli %sub3A_134, %mul3A_135 : i32
          %add3A_137 = arith.addi %mul3A_2, %mul3A_136 : i32
          %dma_wait3A_138 = arith.constant 0 : i32
          %dma_wait3A_139 = tpu.memref_slice %arg4[%add3A_137, %dma_wait3A_138] : memref<819200x64xf32, #tpu.memory_space<hbm>> -> memref<400x64xf32, #tpu.memory_space<hbm>>
          %dma_wait3A_140 = arith.constant 0 : i32
          %dma_wait3A_141 = tpu.memref_slice %arg4[%add3A_137, %dma_wait3A_140] : memref<819200x64xf32, #tpu.memory_space<hbm>> -> memref<400x64xf32, #tpu.memory_space<hbm>>
          tpu.wait_dma2 semaphore(%arg20 : memref<!tpu.dma_semaphore, #tpu.memory_space<semaphore_mem>>) src(%arg12 : memref<400x64xf32, #tpu.memory_space<vmem>>) dst(%dma_wait3A_141 : memref<400x64xf32, #tpu.memory_space<hbm>>)
        } else {
        }
        %add3A_126 = arith.constant 2 : i32
        %add3A_127 = arith.addi %add3A_62, %add3A_126 : i32
        %mul3A_128 = arith.constant 400 : i32
        %mul3A_129 = arith.muli %add3A_127, %mul3A_128 : i32
        %add3A_130 = arith.addi %mul3A_2, %mul3A_129 : i32
        "tpu.region"() ({
          %run_scoped3A = tpu.sem_alloc : memref<!tpu.dma_semaphore, #tpu.memory_space<semaphore_mem>>
          %dma_start3A_134 = tpu.memref_slice %arg2[%add3A_130] : memref<819200xi32, #tpu.memory_space<hbm>> -> memref<400xi32, #tpu.memory_space<hbm>>
          %dma_start3A_135 = tpu.memref_slice %arg2[%add3A_130] : memref<819200xi32, #tpu.memory_space<hbm>> -> memref<400xi32, #tpu.memory_space<hbm>>
          tpu.enqueue_dma source(%dma_start3A_135 : memref<400xi32, #tpu.memory_space<hbm>>) target(%arg8 : memref<400xi32, #tpu.memory_space<vmem>>) target_semaphore(%run_scoped3A : memref<!tpu.dma_semaphore, #tpu.memory_space<semaphore_mem>>)
          %dma_wait3A_136 = tpu.memref_slice %arg2[%add3A_130] : memref<819200xi32, #tpu.memory_space<hbm>> -> memref<400xi32, #tpu.memory_space<hbm>>
          %dma_wait3A_137 = tpu.memref_slice %arg2[%add3A_130] : memref<819200xi32, #tpu.memory_space<hbm>> -> memref<400xi32, #tpu.memory_space<hbm>>
          tpu.wait_dma2 semaphore(%run_scoped3A : memref<!tpu.dma_semaphore, #tpu.memory_space<semaphore_mem>>) src(%dma_wait3A_137 : memref<400xi32, #tpu.memory_space<hbm>>) dst(%arg8 : memref<400xi32, #tpu.memory_space<vmem>>)
          tpu.yield
        }) : () -> ()
        %dma_start3A_131 = arith.constant 0 : i32
        %dma_start3A_132 = arith.constant 0 : i32
        %dma_start3A_133 = tpu.memref_slice %arg3[%dma_start3A_131, %dma_start3A_132] : memref<1000000x64xf32, #tpu.memory_space<hbm>> -> memref<1000000x64xf32, #tpu.memory_space<hbm>>
        tpu.enqueue_indirect_dma source(%dma_start3A_133 : memref<1000000x64xf32, #tpu.memory_space<hbm>>) target(%arg12 : memref<400x64xf32, #tpu.memory_space<vmem>>) offsets(%arg8 : memref<400xi32, #tpu.memory_space<vmem>>) semaphore(%arg16 : memref<!tpu.dma_semaphore, #tpu.memory_space<semaphore_mem>>)
      } else {
      }
      %dma_wait3A_70 = arith.constant 0 : i32
      %dma_wait3A_71 = arith.constant 0 : i32
      %dma_wait3A_72 = tpu.memref_slice %arg3[%dma_wait3A_70, %dma_wait3A_71] : memref<1000000x64xf32, #tpu.memory_space<hbm>> -> memref<1000000x64xf32, #tpu.memory_space<hbm>>
      tpu.wait_indirect_dma semaphore(%arg14 : memref<!tpu.dma_semaphore, #tpu.memory_space<semaphore_mem>>) src(%dma_wait3A_72 : memref<1000000x64xf32, #tpu.memory_space<hbm>>) dst(%arg10 : memref<400x64xf32, #tpu.memory_space<vmem>>)
      %mul3A_73 = arith.constant 400 : i32
      %mul3A_74 = arith.muli %add3A_62, %mul3A_73 : i32
      %add3A_75 = arith.addi %mul3A_2, %mul3A_74 : i32
      %dma_start3A_76 = arith.constant 0 : i32
      %dma_start3A_77 = tpu.memref_slice %arg4[%add3A_75, %dma_start3A_76] : memref<819200x64xf32, #tpu.memory_space<hbm>> -> memref<400x64xf32, #tpu.memory_space<hbm>>
      %dma_start3A_78 = arith.constant 0 : i32
      %dma_start3A_79 = tpu.memref_slice %arg4[%add3A_75, %dma_start3A_78] : memref<819200x64xf32, #tpu.memory_space<hbm>> -> memref<400x64xf32, #tpu.memory_space<hbm>>
      tpu.enqueue_dma source(%arg10 : memref<400x64xf32, #tpu.memory_space<vmem>>) target(%dma_start3A_79 : memref<400x64xf32, #tpu.memory_space<hbm>>) target_semaphore(%arg18 : memref<!tpu.dma_semaphore, #tpu.memory_space<semaphore_mem>>)
      %mul3A_80 = arith.constant 4 : i32
      %mul3A_81 = arith.muli %scan3A_40, %mul3A_80 : i32
      %add3A_82 = arith.constant 2 : i32
      %add3A_83 = arith.addi %mul3A_81, %add3A_82 : i32
      %add3A_84 = arith.constant 2 : i32
      %add3A_85 = arith.addi %add3A_83, %add3A_84 : i32
      %lt3A_86 = arith.constant 64 : i32
      %lt3A_87 = arith.cmpi slt, %add3A_85, %lt3A_86 : i32
      %convert_element_type3A_88 = arith.extui %lt3A_87 : i1 to i32
      %cond3A_89 = arith.constant 0 : i32
      %cond3A_90 = arith.cmpi ne, %convert_element_type3A_88, %cond3A_89 : i32
      scf.if %cond3A_90 {
        %ge3A = arith.constant 2 : i32
        %ge3A_122 = arith.cmpi sge, %add3A_83, %ge3A : i32
        %convert_element_type3A_123 = arith.extui %ge3A_122 : i1 to i32
        %cond3A_124 = arith.constant 0 : i32
        %cond3A_125 = arith.cmpi ne, %convert_element_type3A_123, %cond3A_124 : i32
        scf.if %cond3A_125 {
          %sub3A = arith.constant 2 : i32
          %sub3A_134 = arith.subi %add3A_83, %sub3A : i32
          %mul3A_135 = arith.constant 400 : i32
          %mul3A_136 = arith.muli %sub3A_134, %mul3A_135 : i32
          %add3A_137 = arith.addi %mul3A_2, %mul3A_136 : i32
          %dma_wait3A_138 = arith.constant 0 : i32
          %dma_wait3A_139 = tpu.memref_slice %arg4[%add3A_137, %dma_wait3A_138] : memref<819200x64xf32, #tpu.memory_space<hbm>> -> memref<400x64xf32, #tpu.memory_space<hbm>>
          %dma_wait3A_140 = arith.constant 0 : i32
          %dma_wait3A_141 = tpu.memref_slice %arg4[%add3A_137, %dma_wait3A_140] : memref<819200x64xf32, #tpu.memory_space<hbm>> -> memref<400x64xf32, #tpu.memory_space<hbm>>
          tpu.wait_dma2 semaphore(%arg17 : memref<!tpu.dma_semaphore, #tpu.memory_space<semaphore_mem>>) src(%arg9 : memref<400x64xf32, #tpu.memory_space<vmem>>) dst(%dma_wait3A_141 : memref<400x64xf32, #tpu.memory_space<hbm>>)
        } else {
        }
        %add3A_126 = arith.constant 2 : i32
        %add3A_127 = arith.addi %add3A_83, %add3A_126 : i32
        %mul3A_128 = arith.constant 400 : i32
        %mul3A_129 = arith.muli %add3A_127, %mul3A_128 : i32
        %add3A_130 = arith.addi %mul3A_2, %mul3A_129 : i32
        "tpu.region"() ({
          %run_scoped3A = tpu.sem_alloc : memref<!tpu.dma_semaphore, #tpu.memory_space<semaphore_mem>>
          %dma_start3A_134 = tpu.memref_slice %arg2[%add3A_130] : memref<819200xi32, #tpu.memory_space<hbm>> -> memref<400xi32, #tpu.memory_space<hbm>>
          %dma_start3A_135 = tpu.memref_slice %arg2[%add3A_130] : memref<819200xi32, #tpu.memory_space<hbm>> -> memref<400xi32, #tpu.memory_space<hbm>>
          tpu.enqueue_dma source(%dma_start3A_135 : memref<400xi32, #tpu.memory_space<hbm>>) target(%arg5 : memref<400xi32, #tpu.memory_space<vmem>>) target_semaphore(%run_scoped3A : memref<!tpu.dma_semaphore, #tpu.memory_space<semaphore_mem>>)
          %dma_wait3A_136 = tpu.memref_slice %arg2[%add3A_130] : memref<819200xi32, #tpu.memory_space<hbm>> -> memref<400xi32, #tpu.memory_space<hbm>>
          %dma_wait3A_137 = tpu.memref_slice %arg2[%add3A_130] : memref<819200xi32, #tpu.memory_space<hbm>> -> memref<400xi32, #tpu.memory_space<hbm>>
          tpu.wait_dma2 semaphore(%run_scoped3A : memref<!tpu.dma_semaphore, #tpu.memory_space<semaphore_mem>>) src(%dma_wait3A_137 : memref<400xi32, #tpu.memory_space<hbm>>) dst(%arg5 : memref<400xi32, #tpu.memory_space<vmem>>)
          tpu.yield
        }) : () -> ()
        %dma_start3A_131 = arith.constant 0 : i32
        %dma_start3A_132 = arith.constant 0 : i32
        %dma_start3A_133 = tpu.memref_slice %arg3[%dma_start3A_131, %dma_start3A_132] : memref<1000000x64xf32, #tpu.memory_space<hbm>> -> memref<1000000x64xf32, #tpu.memory_space<hbm>>
        tpu.enqueue_indirect_dma source(%dma_start3A_133 : memref<1000000x64xf32, #tpu.memory_space<hbm>>) target(%arg9 : memref<400x64xf32, #tpu.memory_space<vmem>>) offsets(%arg5 : memref<400xi32, #tpu.memory_space<vmem>>) semaphore(%arg13 : memref<!tpu.dma_semaphore, #tpu.memory_space<semaphore_mem>>)
      } else {
      }
      %dma_wait3A_91 = arith.constant 0 : i32
      %dma_wait3A_92 = arith.constant 0 : i32
      %dma_wait3A_93 = tpu.memref_slice %arg3[%dma_wait3A_91, %dma_wait3A_92] : memref<1000000x64xf32, #tpu.memory_space<hbm>> -> memref<1000000x64xf32, #tpu.memory_space<hbm>>
      tpu.wait_indirect_dma semaphore(%arg15 : memref<!tpu.dma_semaphore, #tpu.memory_space<semaphore_mem>>) src(%dma_wait3A_93 : memref<1000000x64xf32, #tpu.memory_space<hbm>>) dst(%arg11 : memref<400x64xf32, #tpu.memory_space<vmem>>)
      %mul3A_94 = arith.constant 400 : i32
      %mul3A_95 = arith.muli %add3A_83, %mul3A_94 : i32
      %add3A_96 = arith.addi %mul3A_2, %mul3A_95 : i32
      %dma_start3A_97 = arith.constant 0 : i32
      %dma_start3A_98 = tpu.memref_slice %arg4[%add3A_96, %dma_start3A_97] : memref<819200x64xf32, #tpu.memory_space<hbm>> -> memref<400x64xf32, #tpu.memory_space<hbm>>
      %dma_start3A_99 = arith.constant 0 : i32
      %dma_start3A_100 = tpu.memref_slice %arg4[%add3A_96, %dma_start3A_99] : memref<819200x64xf32, #tpu.memory_space<hbm>> -> memref<400x64xf32, #tpu.memory_space<hbm>>
      tpu.enqueue_dma source(%arg11 : memref<400x64xf32, #tpu.memory_space<vmem>>) target(%dma_start3A_100 : memref<400x64xf32, #tpu.memory_space<hbm>>) target_semaphore(%arg19 : memref<!tpu.dma_semaphore, #tpu.memory_space<semaphore_mem>>)
      %mul3A_101 = arith.constant 4 : i32
      %mul3A_102 = arith.muli %scan3A_40, %mul3A_101 : i32
      %add3A_103 = arith.constant 3 : i32
      %add3A_104 = arith.addi %mul3A_102, %add3A_103 : i32
      %add3A_105 = arith.constant 2 : i32
      %add3A_106 = arith.addi %add3A_104, %add3A_105 : i32
      %lt3A_107 = arith.constant 64 : i32
      %lt3A_108 = arith.cmpi slt, %add3A_106, %lt3A_107 : i32
      %convert_element_type3A_109 = arith.extui %lt3A_108 : i1 to i32
      %cond3A_110 = arith.constant 0 : i32
      %cond3A_111 = arith.cmpi ne, %convert_element_type3A_109, %cond3A_110 : i32
      scf.if %cond3A_111 {
        %ge3A = arith.constant 2 : i32
        %ge3A_122 = arith.cmpi sge, %add3A_104, %ge3A : i32
        %convert_element_type3A_123 = arith.extui %ge3A_122 : i1 to i32
        %cond3A_124 = arith.constant 0 : i32
        %cond3A_125 = arith.cmpi ne, %convert_element_type3A_123, %cond3A_124 : i32
        scf.if %cond3A_125 {
          %sub3A = arith.constant 2 : i32
          %sub3A_134 = arith.subi %add3A_104, %sub3A : i32
          %mul3A_135 = arith.constant 400 : i32
          %mul3A_136 = arith.muli %sub3A_134, %mul3A_135 : i32
          %add3A_137 = arith.addi %mul3A_2, %mul3A_136 : i32
          %dma_wait3A_138 = arith.constant 0 : i32
          %dma_wait3A_139 = tpu.memref_slice %arg4[%add3A_137, %dma_wait3A_138] : memref<819200x64xf32, #tpu.memory_space<hbm>> -> memref<400x64xf32, #tpu.memory_space<hbm>>
          %dma_wait3A_140 = arith.constant 0 : i32
          %dma_wait3A_141 = tpu.memref_slice %arg4[%add3A_137, %dma_wait3A_140] : memref<819200x64xf32, #tpu.memory_space<hbm>> -> memref<400x64xf32, #tpu.memory_space<hbm>>
          tpu.wait_dma2 semaphore(%arg18 : memref<!tpu.dma_semaphore, #tpu.memory_space<semaphore_mem>>) src(%arg10 : memref<400x64xf32, #tpu.memory_space<vmem>>) dst(%dma_wait3A_141 : memref<400x64xf32, #tpu.memory_space<hbm>>)
        } else {
        }
        %add3A_126 = arith.constant 2 : i32
        %add3A_127 = arith.addi %add3A_104, %add3A_126 : i32
        %mul3A_128 = arith.constant 400 : i32
        %mul3A_129 = arith.muli %add3A_127, %mul3A_128 : i32
        %add3A_130 = arith.addi %mul3A_2, %mul3A_129 : i32
        "tpu.region"() ({
          %run_scoped3A = tpu.sem_alloc : memref<!tpu.dma_semaphore, #tpu.memory_space<semaphore_mem>>
          %dma_start3A_134 = tpu.memref_slice %arg2[%add3A_130] : memref<819200xi32, #tpu.memory_space<hbm>> -> memref<400xi32, #tpu.memory_space<hbm>>
          %dma_start3A_135 = tpu.memref_slice %arg2[%add3A_130] : memref<819200xi32, #tpu.memory_space<hbm>> -> memref<400xi32, #tpu.memory_space<hbm>>
          tpu.enqueue_dma source(%dma_start3A_135 : memref<400xi32, #tpu.memory_space<hbm>>) target(%arg6 : memref<400xi32, #tpu.memory_space<vmem>>) target_semaphore(%run_scoped3A : memref<!tpu.dma_semaphore, #tpu.memory_space<semaphore_mem>>)
          %dma_wait3A_136 = tpu.memref_slice %arg2[%add3A_130] : memref<819200xi32, #tpu.memory_space<hbm>> -> memref<400xi32, #tpu.memory_space<hbm>>
          %dma_wait3A_137 = tpu.memref_slice %arg2[%add3A_130] : memref<819200xi32, #tpu.memory_space<hbm>> -> memref<400xi32, #tpu.memory_space<hbm>>
          tpu.wait_dma2 semaphore(%run_scoped3A : memref<!tpu.dma_semaphore, #tpu.memory_space<semaphore_mem>>) src(%dma_wait3A_137 : memref<400xi32, #tpu.memory_space<hbm>>) dst(%arg6 : memref<400xi32, #tpu.memory_space<vmem>>)
          tpu.yield
        }) : () -> ()
        %dma_start3A_131 = arith.constant 0 : i32
        %dma_start3A_132 = arith.constant 0 : i32
        %dma_start3A_133 = tpu.memref_slice %arg3[%dma_start3A_131, %dma_start3A_132] : memref<1000000x64xf32, #tpu.memory_space<hbm>> -> memref<1000000x64xf32, #tpu.memory_space<hbm>>
        tpu.enqueue_indirect_dma source(%dma_start3A_133 : memref<1000000x64xf32, #tpu.memory_space<hbm>>) target(%arg10 : memref<400x64xf32, #tpu.memory_space<vmem>>) offsets(%arg6 : memref<400xi32, #tpu.memory_space<vmem>>) semaphore(%arg14 : memref<!tpu.dma_semaphore, #tpu.memory_space<semaphore_mem>>)
      } else {
      }
      %dma_wait3A_112 = arith.constant 0 : i32
      %dma_wait3A_113 = arith.constant 0 : i32
      %dma_wait3A_114 = tpu.memref_slice %arg3[%dma_wait3A_112, %dma_wait3A_113] : memref<1000000x64xf32, #tpu.memory_space<hbm>> -> memref<1000000x64xf32, #tpu.memory_space<hbm>>
      tpu.wait_indirect_dma semaphore(%arg16 : memref<!tpu.dma_semaphore, #tpu.memory_space<semaphore_mem>>) src(%dma_wait3A_114 : memref<1000000x64xf32, #tpu.memory_space<hbm>>) dst(%arg12 : memref<400x64xf32, #tpu.memory_space<vmem>>)
      %mul3A_115 = arith.constant 400 : i32
      %mul3A_116 = arith.muli %add3A_104, %mul3A_115 : i32
      %add3A_117 = arith.addi %mul3A_2, %mul3A_116 : i32
      %dma_start3A_118 = arith.constant 0 : i32
      %dma_start3A_119 = tpu.memref_slice %arg4[%add3A_117, %dma_start3A_118] : memref<819200x64xf32, #tpu.memory_space<hbm>> -> memref<400x64xf32, #tpu.memory_space<hbm>>
      %dma_start3A_120 = arith.constant 0 : i32
      %dma_start3A_121 = tpu.memref_slice %arg4[%add3A_117, %dma_start3A_120] : memref<819200x64xf32, #tpu.memory_space<hbm>> -> memref<400x64xf32, #tpu.memory_space<hbm>>
      tpu.enqueue_dma source(%arg12 : memref<400x64xf32, #tpu.memory_space<vmem>>) target(%dma_start3A_121 : memref<400x64xf32, #tpu.memory_space<hbm>>) target_semaphore(%arg20 : memref<!tpu.dma_semaphore, #tpu.memory_space<semaphore_mem>>)
    }
    %scan3A_16 = arith.constant 16 : i32
    %add3A_17 = arith.constant 24000 : i32
    %add3A_18 = arith.addi %mul3A_2, %add3A_17 : i32
    %dma_wait3A = arith.constant 0 : i32
    %dma_wait3A_19 = tpu.memref_slice %arg4[%add3A_18, %dma_wait3A] : memref<819200x64xf32, #tpu.memory_space<hbm>> -> memref<400x64xf32, #tpu.memory_space<hbm>>
    %dma_wait3A_20 = arith.constant 0 : i32
    %dma_wait3A_21 = tpu.memref_slice %arg4[%add3A_18, %dma_wait3A_20] : memref<819200x64xf32, #tpu.memory_space<hbm>> -> memref<400x64xf32, #tpu.memory_space<hbm>>
    tpu.wait_dma2 semaphore(%arg17 : memref<!tpu.dma_semaphore, #tpu.memory_space<semaphore_mem>>) src(%arg9 : memref<400x64xf32, #tpu.memory_space<vmem>>) dst(%dma_wait3A_21 : memref<400x64xf32, #tpu.memory_space<hbm>>)
    %add3A_22 = arith.constant 24400 : i32
    %add3A_23 = arith.addi %mul3A_2, %add3A_22 : i32
    %dma_wait3A_24 = arith.constant 0 : i32
    %dma_wait3A_25 = tpu.memref_slice %arg4[%add3A_23, %dma_wait3A_24] : memref<819200x64xf32, #tpu.memory_space<hbm>> -> memref<400x64xf32, #tpu.memory_space<hbm>>
    %dma_wait3A_26 = arith.constant 0 : i32
    %dma_wait3A_27 = tpu.memref_slice %arg4[%add3A_23, %dma_wait3A_26] : memref<819200x64xf32, #tpu.memory_space<hbm>> -> memref<400x64xf32, #tpu.memory_space<hbm>>
    tpu.wait_dma2 semaphore(%arg18 : memref<!tpu.dma_semaphore, #tpu.memory_space<semaphore_mem>>) src(%arg10 : memref<400x64xf32, #tpu.memory_space<vmem>>) dst(%dma_wait3A_27 : memref<400x64xf32, #tpu.memory_space<hbm>>)
    %add3A_28 = arith.constant 24800 : i32
    %add3A_29 = arith.addi %mul3A_2, %add3A_28 : i32
    %dma_wait3A_30 = arith.constant 0 : i32
    %dma_wait3A_31 = tpu.memref_slice %arg4[%add3A_29, %dma_wait3A_30] : memref<819200x64xf32, #tpu.memory_space<hbm>> -> memref<400x64xf32, #tpu.memory_space<hbm>>
    %dma_wait3A_32 = arith.constant 0 : i32
    %dma_wait3A_33 = tpu.memref_slice %arg4[%add3A_29, %dma_wait3A_32] : memref<819200x64xf32, #tpu.memory_space<hbm>> -> memref<400x64xf32, #tpu.memory_space<hbm>>
    tpu.wait_dma2 semaphore(%arg19 : memref<!tpu.dma_semaphore, #tpu.memory_space<semaphore_mem>>) src(%arg11 : memref<400x64xf32, #tpu.memory_space<vmem>>) dst(%dma_wait3A_33 : memref<400x64xf32, #tpu.memory_space<hbm>>)
    %add3A_34 = arith.constant 25200 : i32
    %add3A_35 = arith.addi %mul3A_2, %add3A_34 : i32
    %dma_wait3A_36 = arith.constant 0 : i32
    %dma_wait3A_37 = tpu.memref_slice %arg4[%add3A_35, %dma_wait3A_36] : memref<819200x64xf32, #tpu.memory_space<hbm>> -> memref<400x64xf32, #tpu.memory_space<hbm>>
    %dma_wait3A_38 = arith.constant 0 : i32
    %dma_wait3A_39 = tpu.memref_slice %arg4[%add3A_35, %dma_wait3A_38] : memref<819200x64xf32, #tpu.memory_space<hbm>> -> memref<400x64xf32, #tpu.memory_space<hbm>>
    tpu.wait_dma2 semaphore(%arg20 : memref<!tpu.dma_semaphore, #tpu.memory_space<semaphore_mem>>) src(%arg12 : memref<400x64xf32, #tpu.memory_space<vmem>>) dst(%dma_wait3A_39 : memref<400x64xf32, #tpu.memory_space<hbm>>)
    return
  }
}

</mosaic_0001>

<sc_bundles>
// kernel: kernel.3.cloned.1.call-start
scs
__scs_entry_jumppad:
0x0: {  	(pc) =	sbr.rel $0x88, $3  }
0x1: {  	(tag) =	ssettag $0x0;
	lr =	simm.s32 $0x1  }
0x2: {  	[smem:$0x3F9F] =	sst lr;
	_ =	strace $0xD0000000  }
0x3: {  	_ = 	snop  }
0x4: {  	_ = 	snop  }
0x5: {  	_ = 	snop  }
0x6: {  	_ = 	snop  }
0x7: {  	_ = 	snop  }
__scs_overlays_trampoline_lowered:
0x8: {  	[smem:$0x3FAE] =	sst s0  }
0x9: {  	[smem:$0x3FAF] =	sst s1  }
0xa: {  	[smem:$0x3FB0] =	sst s2  }
0xb: {  	[smem:$0x3FB1] =	sst s3  }
0xc: {  	[smem:$0x3FB2] =	sst s4  }
0xd: {  	[smem:$0x3FB3] =	sst s5  }
0xe: {  	[smem:$0x3FB4] =	sst s6  }
0xf: {  	[smem:$0x3FB5] =	sst s7  }
0x10: {  	[smem:$0x3FB6] =	sst s8  }
0x11: {  	[smem:$0x3FB7] =	sst s9;
	s0 =	simm.s32 @!p0 $0x0  }
0x12: {  	s1 =	sld [smem:$0x3F9D];
	s0 =	simm.s32 @p0 $0x1  }
0x13: {  	[smem:$0x3FB8] =	sst s0;
	s0 =	simm.s32 @!p1 $0x0  }
0x14: {  	s2 =	sld [smem:$0x3F9C];
	s0 =	simm.s32 @p1 $0x1  }
0x15: {  	[smem:$0x3FB9] =	sst s0;
	s0 =	simm.s32 @!p2 $0x0  }
0x16: {  	s3 =	sld [smem:$0x3FDB];
	s0 =	simm.s32 @p2 $0x1  }
0x17: {  	s4 =	simm.s32 $0x1BF5;
	[smem:$0x3FBB] =	sst s0  }
0x18: {  	s0 =	sld [smem:$0x3F9E];
	_ =	swait.ge [sflag:s4], $0x0  }
0x19: {  	s7 =	sld [smem:$0x3F9F]  }
0x1a: {  	s8 =	sadd.s32 $0xFFFFE003, lr  }
0x1b: {  	s9 =	sadd.s32 $0xFFFFFEF7, lr;
	s5 =	simm.s32 $0xFFFFFFFF;
	p2 =	slt.u32 s8, $0xFFFFF086  }
0x1c: {  	p1 =	slt.u32 s9, $0xF7A;
	s5 =	simm.s32 @!p2 $0x0  }
0x1d: {  	s5 =	simm.s32 @p1 $0x1;
	p0 =	seq.s32 s7, s2  }
0x1e: {  	s7 =	smul.u32 @!p0 $0xF7A, s2;
	p2 =	seq.s32 @!p0 s5, $0x0  }
0x1f: {  	s9 =	smul.u32 $0xF7A, s1;
	s8 =	simm.s32 @!p0 $0x1BF5;
	p2 =	por !p2, p0  }
0x20: {  	[sflag:s8] =	ssyncset.s32 @!p0 $0xFFFFF086;
	s6 =	sadd.s32 @!p0 s3, s7;
	s7 =	simm.s32 @!p0 $0x108  }
0x21: {  	s3 =	sadd.s32 s3, s9;
	s6 =	sadd.s32 @!p0 $0x88, s6;
	s7 =	simm.s32 @p2 $0x1082  }
0x22: {  	[simem:s7], [sflag:s8] =	dma.local @!p0 [hbm:s6], $0xF7A  }
0x23: {  	s9 =	sor.u32 $0xD0000000, s2;
	s6 =	simm.s32 $0x108;
	_ =	swait.ge @!p0 [sflag:s8], $0x0  }
0x24: {  	s3 =	sadd.s32 $0x88, s3;
	s6 =	simm.s32 @!p1 $0x1082;
	[sflag:s4] =	ssyncset.s32 $0xFFFFF086  }
0x25: {  	[simem:s6], [sflag:s4] =	dma.local [hbm:s3], $0xF7A  }
0x26: {  	[smem:$0x3F9F] =	sst s1;
	(tag) =	ssettag s2;
	_ =	strace s9  }
0x27: {  	s1 =	sld [smem:$0x3FAF]  }
0x28: {  	s2 =	sld [smem:$0x3FB0]  }
0x29: {  	s4 =	sld [smem:$0x3FB2]  }
0x2a: {  	p0 =	seq.s32 s5, $0x0;
	s5 =	sld [smem:$0x3FB3]  }
0x2b: {  	s6 =	sld [smem:$0x3FB4]  }
0x2c: {  	s7 =	sld [smem:$0x3FB5]  }
0x2d: {  	s3 =	simm.s32 $0x108;
	s8 =	sld [smem:$0x3FB6]  }
0x2e: {  	s3 =	simm.s32 @!p0 $0x1082;
	s9 =	sld [smem:$0x3FB7]  }
0x2f: {  	lr =	sadd.s32 s0, s3;
	s0 =	sld [smem:$0x3FAE]  }
0x30: {  	s3 =	sld [smem:$0x3FB1]  }
0x31: {  	[smem:$0x3FBA] =	sst s10  }
0x32: {  	s10 =	sld [smem:$0x3FB8];
	_ =	sdelay $0x3  }
0x33: {  	p0 =	seq.s32 s10, $0x1;
	s10 =	sld [smem:$0x3FBA];
	_ =	sdelay $0x3  }
0x34: {  	[smem:$0x3FBA] =	sst s10  }
0x35: {  	s10 =	sld [smem:$0x3FB9];
	_ =	sdelay $0x3  }
0x36: {  	p1 =	seq.s32 s10, $0x1;
	s10 =	sld [smem:$0x3FBA];
	_ =	sdelay $0x3  }
0x37: {  	[smem:$0x3FBA] =	sst s10  }
0x38: {  	s10 =	sld [smem:$0x3FBB]  }
0x39: {  	_ = 	snop;
	(pc) =	sbr.ind lr, $3  }
0x3a: {  	_ = 	snop  }
0x3b: {  	_ = 	snop  }
0x3c: {  	p2 =	seq.s32 s10, $0x1;
	s10 =	sld [smem:$0x3FBA]  }
0x3d: {  	_ =	shalt  }
0x3e: {  	_ =	shalt  }
0x3f: {  	_ =	shalt  }
0x40: {  	_ =	shalt  }
0x41: {  	_ =	shalt  }
0x42: {  	_ =	shalt  }
0x43: {  	_ =	shalt  }
0x44: {  	_ =	shalt  }
0x45: {  	_ =	shalt  }
0x46: {  	_ =	shalt  }
0x47: {  	_ =	shalt  }
0x48: {  	_ =	shalt  }
0x49: {  	_ =	shalt  }
0x4a: {  	_ =	shalt  }
0x4b: {  	_ =	shalt  }
0x4c: {  	_ =	shalt  }
0x4d: {  	_ =	shalt  }
0x4e: {  	_ =	shalt  }
0x4f: {  	_ =	shalt  }
0x50: {  	_ =	shalt  }
0x51: {  	_ =	shalt  }
0x52: {  	_ =	shalt  }
0x53: {  	_ =	shalt  }
0x54: {  	_ =	shalt  }
0x55: {  	_ =	shalt  }
0x56: {  	_ =	shalt  }
0x57: {  	_ =	shalt  }
0x58: {  	_ =	shalt  }
0x59: {  	_ =	shalt  }
0x5a: {  	_ =	shalt  }
0x5b: {  	_ =	shalt  }
0x5c: {  	_ =	shalt  }
0x5d: {  	_ =	shalt  }
0x5e: {  	_ =	shalt  }
0x5f: {  	_ =	shalt  }
0x60: {  	_ =	shalt  }
0x61: {  	_ =	shalt  }
0x62: {  	_ =	shalt  }
0x63: {  	_ =	shalt  }
0x64: {  	_ =	shalt  }
0x65: {  	_ =	shalt  }
0x66: {  	_ =	shalt  }
0x67: {  	_ =	shalt  }
0x68: {  	_ =	shalt  }
0x69: {  	_ =	shalt  }
0x6a: {  	_ =	shalt  }
0x6b: {  	_ =	shalt  }
0x6c: {  	_ =	shalt  }
0x6d: {  	_ =	shalt  }
0x6e: {  	_ =	shalt  }
0x6f: {  	_ =	shalt  }
0x70: {  	_ =	shalt  }
0x71: {  	_ =	shalt  }
0x72: {  	_ =	shalt  }
0x73: {  	_ =	shalt  }
0x74: {  	_ =	shalt  }
0x75: {  	_ =	shalt  }
0x76: {  	_ =	shalt  }
0x77: {  	_ =	shalt  }
0x78: {  	_ =	shalt  }
0x79: {  	_ =	shalt  }
0x7a: {  	_ =	shalt  }
0x7b: {  	_ =	shalt  }
0x7c: {  	_ =	shalt  }
0x7d: {  	_ =	shalt  }
0x7e: {  	_ =	shalt  }
0x7f: {  	_ =	shalt  }
0x80: {  	_ =	shalt  }
0x81: {  	_ =	shalt  }
0x82: {  	_ =	shalt  }
0x83: {  	_ =	shalt  }
0x84: {  	_ =	shalt  }
0x85: {  	_ =	shalt  }
0x86: {  	_ =	shalt  }
0x87: {  	_ =	shalt  }
.Lfunc_end0:
.L_simem_size_0:
called_computation.1_lowered:
.L_overlay_start_0:
0x88: {  	s2 =	sld [smem:$0x3FD9]  }
0x89: {  	s3 =	sld [smem:$0x3FFE];
	_ =	sdelay $0x1  }
0x8a: {  	s1 =	srdreg.scid  }
0x8b: {  	s0 =	sand.u32 $0x1, s1  }
0x8c: {  	s17 =	sshll.u32 s0, $0xA;
	s2 =	sadd.s32 s3, s2  }
0x8d: {  	s2 =	sadd.s32 s2, s17  }
0x8e: {  	[smem:$0x3FC6] =	sst s2  }
0x8f: {  	_ = 	snop  }
0x90: {  	s2 =	sld [smem:$0x3FD0];
	(tm) =	ssettm $0x1  }
0x91: {  	s18 =	sld [smem:$0x3FFB];
	_ =	sdelay $0x3  }
0x92: {  	_ =	strace s18  }
0x93: {  	s3 =	sld [smem:$0x3FFC];
	_ =	sdelay $0x3  }
0x94: {  	_ =	strace s3  }
0x95: {  	s3 =	sld [smem:$0x3FFD];
	_ =	sdelay $0x3  }
0x96: {  	_ =	strace s3  }
0x97: {  	_ =	strace $0x8FFFFFFF  }
0x98: {  	s19 =	sld [smem:$0x3FDB];
	_ =	sdelay $0x1  }
0x99: {  	s4 =	simm.s32 $_scs_section_size  }
0x9a: {  	s5 =	simm.s32 $_size__tile_overlayer_lowered;
	s6 =	simm.s32 $_tile_overlayer_lowered  }
0x9b: {  	s22 =	simm.s32 $0x1BFF;
	s21 =	sshll.u32 s6, $0x1;
	s3 =	sadd.s32 s4, s19  }
0x9c: {  	s7 =	simm.s32 $0x0;
	s20 =	sshll.u32 s5, $0x1;
	s5 =	sadd.s32 s21, s3  }
0x9d: {  	[timem:s7], [sflag:s22] =	dma.local [hbm:s5], s20  }
0x9e: {  	_ =	swait.ge [sflag:s22], s20  }
0x9f: {  	s4 =	ssub.s32 $0x0, s20;
	[sflag:s22] =	ssyncset.done $0x0  }
0xa0: {  	[sflag:s22] =	ssyncadd.s32 s4;
	_ =	sdelay $0x1  }
0xa1: {  	s23 =	simm.s32 $0x1B8B  }
0xa2: {  	_ =	swait.ge [sflag:s23], $0x1  }
0xa3: {  	[sflag:s23] =	ssyncset.done $0x0  }
0xa4: {  	s25 =	simm.s32 $0x1B8E;
	s24 =	sld [smem:$0x3FFE];
	[sflag:s23] =	ssyncadd.s32 $0xFFFFFFFF  }
0xa5: {  	s26 =	simm.s32 $execute0_lowered;
	[smem:$0x3FD2] =	sst s25  }
0xa6: {  	s5 =	sshll.u32 s26, $0x1;
	_ =	strace $0x80000046;
	[dreg:$0x1] =	wrdreg $0xFFFFFFFF  }
0xa7: {  	s28 =	simm.s32 $_size_execute0_lowered;
	s3 =	sadd.s32 s3, s5;
	[dreg:$0x0] =	wrdreg $0x0  }
0xa8: {  	s5 =	sshll.u32 s28, $0x1;
	[dreg:$0x2] =	wrdreg s3  }
0xa9: {  	[dreg:$0x3] =	wrdreg s5  }
0xaa: {  	[dreg:$0x4] =	wrdreg $0xC0  }
0xab: {  	_ =	task [dreg:s7], $0x5FFFF  }
0xac: {  	[dreg:$0x1] =	wrdreg $0xFFFFFFFF  }
0xad: {  	[dreg:$0x0] =	wrdreg $0x60  }
0xae: {  	[dreg:$0x2] =	wrdreg s24  }
0xaf: {  	[dreg:$0x3] =	wrdreg s2  }
0xb0: {  	[dreg:$0x4] =	wrdreg $0x9  }
0xb1: {  	_ =	task.clear_ibuf [dreg:s7], $0x5FFFF;
	_ =	strace $0x90000046  }
0xb2: {  	s29 =	simm.s32 $0x9;
	_ =	strace $0x80000048  }
0xb3: {  	_ =	swait.ge [sflag:s29], $0x1  }
0xb4: {  	[sflag:s29] =	ssyncadd.s32 $0xFFFFFFFF  }
0xb5: {  	_ =	strace $0x90000048  }
0xb6: {  	_ =	sfence  }
0xb7: {  	s30 =	sld [smem:$0x0];
	_ =	sdelay $0x2  }
0xb8: {  	s31 =	sshll.u32 s1, $0xD;
	s1 =	sshrl.u32 s1, $0x2  }
0xb9: {  	s3 =	sand.u32 $0x4000, s31;
	s1 =	sadd.s32 s1, s30  }
0xba: {  	s0 =	sor.u32 s3, s0;
	s1 =	sshll.u32 s1, $0x11  }
0xbb: {  	s0 =	sor.u32 s1, s0  }
0xbc: {  	s0 =	sadd.s32 $0x8F2B, s0  }
0xbd: {  	[sflag:s0] =	ssyncadd.remote.s32 $0x1  }
0xbe: {  	_ =	sfence.sel $0xFFFF  }
0xbf: {  	[dreg:$0x0] =	wrdreg $0xFFFFFFFF;
	(pc) =	sbr.abs _section_cstart, $3  }
0xc0: {  	[dreg:$0x1] =	wrdreg $0xFFFFFFFF  }
0xc1: {  	_ =	task.clear_ibuf [dreg:s7], $0x2FFFF;
	_ =	strace $0x9FFFFFFF  }
0xc2: {  	(tm) =	ssettm $0x7FFFFFFF  }
0xc3: {  	_ =	shalt  }
tec
execute0_lowered:
.L_overlay_start_1:
0x0: {  	(tag) =	ssettag $0x1  }
0x1: {  	s0 =	rddreg [dreg:$0x0]  }
0x2: {  	s2 =	rddreg [dreg:$0x1];
	s3 =	simm.s32 $0x0  }
0x3: {  	s1 =	srdreg.scid;
	s10 =	stileid.u32;
	s31 =	simm.s32 $0xCE40  }
0x4: {  	s29 =	simm.s32 $0x0;
	[smem:$0x7FF] =	sst s3;
	s5 =	smul.u32 $0xC800, s10  }
0x5: {  	s1 =	sand.u32 $0x1, s1;
	s6 =	sshll.u32 s10, $0x1;
	s10 =	smul.u32 $0x64000, s10  }
0x6: {  	s4 =	sadd.s32 $0xA00, s0;
	_ =	strace $0x80000047;
	s7 =	smul.u32 $0x6400, s1  }
0x7: {  	s8 =	ssub.s32 $0x2, s1;
	s6 =	sor.u32 s1, s6;
	s1 =	smul.u32 $0x32000, s1  }
0x8: {  	[dreg:$0x7] =	wrdreg s31;
	s9 =	sshrl.u32 s8, $0x1;
	s6 =	smul.u32 $0x6400, s6  }
0x9: {  	s7 =	sadd.s32 s7, s5;
	s5 =	sadd.s32 $0xF42E00, s0;
	s14 =	ssub.s32 s8, s9  }
0xa: {  	s9 =	sadd.s32 s1, s10;
	s15 =	sadd.s32 $0x4B0, s7;
	s6 =	sshrl.u32 s6, $0x3  }
0xb: {  	s0 =	smax.u32 s14, $0x1;
	s20 =	sshll.u32 s7, $0x3;
	s21 =	sadd.s32 s2, s9  }
0xc: {  	s23 =	sor.u32 $0x320, s7;
	s24 =	sadd.s32 $0x7D0, s7;
	s26 =	sadd.s32 $0x640, s7  }
0xd: {  	s14 =	simm.s32 $0x9;
	s16 =	sshll.u32 s15, $0x3;
	[dreg:$0xa] =	wrdreg s0  }
0xe: {  	s11 =	sadd.s32 s4, s6;
	s19 =	sshrl.u32 s15, $0x3;
	[dreg:$0x4] =	wrdreg s21  }
0xf: {  	s6 =	sadd.s32 s20, s2;
	s25 =	sshll.u32 s23, $0x3;
	[dreg:$0xc] =	wrdreg s26  }
0x10: {  	s30 =	sshrl.u32 s23, $0x3;
	s15 =	simm.s32 $0x190;
	s20 =	simm.s32 $0x4B0  }
0x11: {  	s21 =	simm.s32 $0x13240;
	[dreg:$0x8] =	wrdreg s11;
	s18 =	sadd.s32 $0x32, s11  }
0x12: {  	s23 =	simm.s32 $0x4;
	s17 =	sadd.s32 s16, s2;
	[dreg:$0x9] =	wrdreg s18  }
0x13: {  	s0 =	sadd.s32 s19, s4;
	s22 =	sadd.s32 $0xC80, s6;
	[dreg:$0x3] =	wrdreg s17  }
0x14: {  	s28 =	sadd.s32 s25, s2;
	s13 =	sadd.s32 s30, s4;
	[dreg:$0xb] =	wrdreg s0  }
0x15: {  	s16 =	simm.s32 $0x640;
	s19 =	simm.s32 $0x1;
	[dreg:$0x5] =	wrdreg s22  }
0x16: {  	s0 =	sshrl.u32 s24, $0x3;
	[dreg:$0x6] =	wrdreg s28;
	s17 =	simm.s32 $0x6A40  }
0x17: {  	s18 =	simm.s32 $0x320;
	s22 =	simm.s32 $0x2;
	s12 =	sadd.s32 s0, s4  }
.LBB2_1:
0x18: {  	s0 =	rddreg [dreg:$0x8]  }
0x19: {  	[tilespmem:s3], [sflag:$0x9] =	stream.linear.gather [hbm4b:s0+s3], $0x190, $0x38;
	[tilespmem:$0x19640] =	vst v63  }
0x1a: {  	_ =	swait.ge [sflag:s14], $0x190  }
0x1b: {  	[sflag:s14] =	ssyncset.done $0x0  }
0x1c: {  	[sflag:s14] =	ssyncadd.s32 $0xFFFFFE70  }
0x1d: {  	[tilespmem:s16], [sflag:$0x1] =	stream.indirect.gather [hbm4b:s5+s15], $0x40, s3, s15, $0xb8;
	[tilespmem:$0x19640] =	vst v63  }
0x1e: {  	s24 =	rddreg [dreg:$0x9]  }
0x1f: {  	[tilespmem:s15], [sflag:$0x9] =	stream.linear.gather [hbm4b:s24+s3], $0x190, $0x38;
	[tilespmem:$0x19640] =	vst v63  }
0x20: {  	_ =	swait.ge [sflag:s14], $0x190  }
0x21: {  	p0 =	por $0x1, $0x1;
	[sflag:s14] =	ssyncset.done $0x0  }
0x22: {  	s0 =	simm.s32 @!p0 $0x7;
	[sflag:s14] =	ssyncadd.s32 $0xFFFFFE70  }
0x23: {  	[tilespmem:s17], [sflag:$0x2] =	stream.indirect.gather [hbm4b:s5+s15], $0x40, s15, s15, $0xb8;
	[tilespmem:$0x19640] =	vst v63  }
0x24: {  	_ =	swait.ge @!p0 [sflag:s0], $0x6400  }
0x25: {  	[sflag:s0] =	ssyncset.done @!p0 $0x0  }
0x26: {  	[sflag:s0] =	ssyncadd.s32 @!p0 $0xFFFF9C00  }
0x27: {  	[tilespmem:s18], [sflag:$0x9] =	stream.linear.gather [hbm4b:s13+s3], $0x190, $0x38;
	[tilespmem:$0x19640] =	vst v63  }
0x28: {  	_ =	swait.ge [sflag:s14], $0x190  }
0x29: {  	[sflag:s14] =	ssyncset.done $0x0  }
0x2a: {  	s25 =	rddreg [dreg:$0x7];
	[sflag:s14] =	ssyncadd.s32 $0xFFFFFE70  }
0x2b: {  	[tilespmem:s25], [sflag:$0x3] =	stream.indirect.gather [hbm4b:s5+s15], $0x40, s18, s15, $0xb8;
	[tilespmem:$0x19640] =	vst v63  }
0x2c: {  	_ =	swait.ge [sflag:s19], $0x6400  }
0x2d: {  	s26 =	rddreg [dreg:$0x4];
	[sflag:s19] =	ssyncset.done $0x0  }
0x2e: {  	s6 =	simm.s32 @!p0 $0x8;
	[sflag:s19] =	ssyncadd.s32 $0xFFFF9C00;
	s0 =	sadd.s32 $0x0, s26  }
0x2f: {  	[hbm4b:s0+s3] =	stream.linear.scatter [tilespmem:s16], [sflag:$0x5], $0x6400, $0x38;
	[tilespmem:$0x19640] =	vst v63  }
0x30: {  	_ =	swait.ge @!p0 [sflag:s6], $0x6400  }
0x31: {  	[sflag:s6] =	ssyncset.done @!p0 $0x0  }
0x32: {  	s1 =	rddreg [dreg:$0xb];
	[sflag:s6] =	ssyncadd.s32 @!p0 $0xFFFF9C00  }
0x33: {  	[tilespmem:s20], [sflag:$0x9] =	stream.linear.gather [hbm4b:s1+s3], $0x190, $0x38;
	[tilespmem:$0x19640] =	vst v63  }
0x34: {  	_ =	swait.ge [sflag:s14], $0x190  }
0x35: {  	[sflag:s14] =	ssyncset.done $0x0  }
0x36: {  	[sflag:s14] =	ssyncadd.s32 $0xFFFFFE70  }
0x37: {  	[tilespmem:s21], [sflag:$0x4] =	stream.indirect.gather [hbm4b:s5+s15], $0x40, s20, s15, $0xb8;
	[tilespmem:$0x19640] =	vst v63  }
0x38: {  	p0 =	por $0x0, $0x0;
	_ =	swait.ge [sflag:s22], $0x6400  }
0x39: {  	s6 =	sadd.s32 @p0 $0x0, s9;
	s28 =	rddreg [dreg:$0x5];
	[sflag:s22] =	ssyncset.done $0x0  }
0x3a: {  	s7 =	simm.s32 @p0 $0x3;
	s0 =	sadd.s32 $0x0, s28;
	[sflag:s22] =	ssyncadd.s32 $0xFFFF9C00  }
0x3b: {  	[hbm4b:s0+s3] =	stream.linear.scatter [tilespmem:s17], [sflag:$0x6], $0x6400, $0x38;
	[tilespmem:$0x19640] =	vst v63  }
0x3c: {  	s8 =	simm.s32 @p0 $0xCE40;
	s6 =	sadd.s32 @p0 $0x1900, s6;
	_ =	swait.ge @p0 [sflag:s7], $0x6400  }
0x3d: {  	s10 =	simm.s32 @!p0 $0x5;
	s0 =	sand.u32 @p0 $0x1FFFE700, s6;
	[sflag:s7] =	ssyncset.done @p0 $0x0  }
0x3e: {  	s6 =	simm.s32 @p0 $0x0;
	s0 =	sadd.s32 @p0 s2, s0;
	[sflag:s7] =	ssyncadd.s32 @p0 $0xFFFF9C00  }
0x3f: {  	[hbm4b:s0+s6] =	stream.linear.scatter @p0 [tilespmem:s8], [sflag:$0x7], $0x6400, $0x38;
	[tilespmem:$0x19640] =	vst v63  }
0x40: {  	s11 =	rddreg [dreg:$0xc];
	_ =	swait.ge @!p0 [sflag:s10], $0x6400  }
0x41: {  	s7 =	simm.s32 @!p0 $0x9;
	s0 =	sshrl.u32 @!p0 s11, $0x3;
	[sflag:s10] =	ssyncset.done @!p0 $0x0  }
0x42: {  	s6 =	simm.s32 @!p0 $0x0;
	s0 =	sadd.s32 @!p0 s4, s0;
	[sflag:s10] =	ssyncadd.s32 @!p0 $0xFFFF9C00  }
0x43: {  	[tilespmem:s6], [sflag:$0x9] =	stream.linear.gather @!p0 [hbm4b:s0+s6], $0x190, $0x38;
	[tilespmem:$0x19640] =	vst v63  }
0x44: {  	_ =	swait.ge @!p0 [sflag:s7], $0x190  }
0x45: {  	s8 =	simm.s32 @!p0 $0x640;
	[sflag:s7] =	ssyncset.done @!p0 $0x0  }
0x46: {  	s10 =	simm.s32 @!p0 $0x3;
	s0 =	simm.s32 @!p0 $0x190;
	[sflag:s7] =	ssyncadd.s32 @!p0 $0xFFFFFE70  }
0x47: {  	[tilespmem:s8], [sflag:$0x1] =	stream.indirect.gather @!p0 [hbm4b:s5+s0], $0x40, s6, s0, $0xb8;
	[tilespmem:$0x19640] =	vst v63  }
0x48: {  	_ =	swait.ge @!p0 [sflag:s10], $0x6400  }
0x49: {  	s30 =	simm.s32 @!p0 $0x6;
	s8 =	rddreg [dreg:$0x6];
	[sflag:s10] =	ssyncset.done @!p0 $0x0  }
0x4a: {  	[sflag:s10] =	ssyncadd.s32 @!p0 $0xFFFF9C00;
	s10 =	simm.s32 @!p0 $0xCE40;
	s8 =	sadd.s32 @!p0 $0x0, s8  }
0x4b: {  	[hbm4b:s8+s6] =	stream.linear.scatter @!p0 [tilespmem:s10], [sflag:$0x7], $0x6400, $0x38;
	[tilespmem:$0x19640] =	vst v63  }
0x4c: {  	_ =	swait.ge @!p0 [sflag:s30], $0x6400  }
0x4d: {  	[sflag:s30] =	ssyncset.done @!p0 $0x0  }
0x4e: {  	[sflag:s30] =	ssyncadd.s32 @!p0 $0xFFFF9C00  }
0x4f: {  	[tilespmem:s0], [sflag:$0x9] =	stream.linear.gather @!p0 [hbm4b:s12+s6], $0x190, $0x38;
	[tilespmem:$0x19640] =	vst v63  }
0x50: {  	s31 =	sadd.s32 $0xC8, s12;
	s8 =	simm.s32 $0x6400;
	_ =	swait.ge @!p0 [sflag:s7], $0x190  }
0x51: {  	s10 =	smov.u32 s1;
	s30 =	simm.s32 $0x3200;
	[sflag:s7] =	ssyncset.done @!p0 $0x0  }
0x52: {  	s6 =	simm.s32 @!p0 $0x6A40;
	[sflag:s7] =	ssyncadd.s32 @!p0 $0xFFFFFE70;
	s7 =	sadd.s32 $0xC8, s13  }
0x53: {  	[tilespmem:s6], [sflag:$0x2] =	stream.indirect.gather @!p0 [hbm4b:s5+s0], $0x40, s0, s0, $0xb8;
	[tilespmem:$0x19640] =	vst v63  }
0x54: {  	s0 =	sadd.s32 $0x640, s11;
	s6 =	simm.s32 $0x0;
	_ =	swait.ge [sflag:s23], $0x6400  }
.LBB2_2:
0x55: {  	s24 =	rddreg [dreg:$0x3];
	[sflag:s23] =	ssyncset.done $0x0;
	p1 =	seq.s32 s30, $0x0  }
0x56: {  	[sflag:s23] =	ssyncadd.s32 $0xFFFF9C00;
	s26 =	simm.s32 @!p1 $0x7;
	s24 =	sadd.s32 s6, s24  }
0x57: {  	[hbm4b:s24+s3] =	stream.linear.scatter [tilespmem:s21], [sflag:$0x8], $0x6400, $0x38;
	[tilespmem:$0x19640] =	vst v63  }
0x58: {  	_ =	swait.ge @!p1 [sflag:s26], $0x6400  }
0x59: {  	[sflag:s26] =	ssyncset.done @!p1 $0x0  }
0x5a: {  	[sflag:s26] =	ssyncadd.s32 @!p1 $0xFFFF9C00  }
0x5b: {  	[tilespmem:s18], [sflag:$0x9] =	stream.linear.gather [hbm4b:s7+s3], $0x190, $0x38;
	[tilespmem:$0x19640] =	vst v63  }
0x5c: {  	_ =	swait.ge [sflag:s14], $0x190  }
0x5d: {  	[sflag:s14] =	ssyncset.done $0x0  }
0x5e: {  	s28 =	rddreg [dreg:$0x7];
	[sflag:s14] =	ssyncadd.s32 $0xFFFFFE70  }
0x5f: {  	[tilespmem:s28], [sflag:$0x3] =	stream.indirect.gather [hbm4b:s5+s15], $0x40, s18, s15, $0xb8;
	[tilespmem:$0x19640] =	vst v63  }
0x60: {  	s25 =	smov.u32 s8;
	s6 =	smov.u32 s30;
	_ =	swait.ge [sflag:s19], $0x6400  }
0x61: {  	s30 =	smov.u32 s25;
	s1 =	rddreg [dreg:$0x4];
	[sflag:s19] =	ssyncset.done $0x0  }
0x62: {  	s25 =	simm.s32 @!p1 $0x8;
	[sflag:s19] =	ssyncadd.s32 $0xFFFF9C00;
	s24 =	sadd.s32 s6, s1  }
0x63: {  	[hbm4b:s24+s3] =	stream.linear.scatter [tilespmem:s16], [sflag:$0x5], $0x6400, $0x38;
	[tilespmem:$0x19640] =	vst v63  }
0x64: {  	_ =	swait.ge @!p1 [sflag:s25], $0x6400  }
0x65: {  	[sflag:s25] =	ssyncset.done @!p1 $0x0  }
0x66: {  	s10 =	sadd.s32 $0xC8, s10;
	[sflag:s25] =	ssyncadd.s32 @!p1 $0xFFFF9C00  }
0x67: {  	[tilespmem:s20], [sflag:$0x9] =	stream.linear.gather [hbm4b:s10+s3], $0x190, $0x38;
	[tilespmem:$0x19640] =	vst v63  }
0x68: {  	_ =	swait.ge [sflag:s14], $0x190  }
0x69: {  	[sflag:s14] =	ssyncset.done $0x0  }
0x6a: {  	p1 =	seq.s32 s6, $0x2EE00;
	[sflag:s14] =	ssyncadd.s32 $0xFFFFFE70  }
0x6b: {  	[tilespmem:s21], [sflag:$0x4] =	stream.indirect.gather [hbm4b:s5+s15], $0x40, s20, s15, $0xb8;
	[tilespmem:$0x19640] =	vst v63  }
0x6c: {  	s25 =	sadd.s32 @p1 s6, s9;
	_ =	swait.ge [sflag:s22], $0x6400  }
0x6d: {  	s28 =	simm.s32 @p1 $0x3;
	s11 =	rddreg [dreg:$0x5];
	[sflag:s22] =	ssyncset.done $0x0  }
0x6e: {  	s25 =	sadd.s32 @p1 $0x1900, s25;
	s24 =	sadd.s32 s6, s11;
	[sflag:s22] =	ssyncadd.s32 $0xFFFF9C00  }
0x6f: {  	[hbm4b:s24+s3] =	stream.linear.scatter [tilespmem:s17], [sflag:$0x6], $0x6400, $0x38;
	[tilespmem:$0x19640] =	vst v63  }
0x70: {  	s25 =	sand.u32 @p1 $0x1FFFE700, s25;
	_ =	swait.ge @p1 [sflag:s28], $0x6400  }
0x71: {  	s1 =	simm.s32 @p1 $0xCE40;
	s25 =	sadd.s32 @p1 s2, s25;
	[sflag:s28] =	ssyncset.done @p1 $0x0  }
0x72: {  	s11 =	simm.s32 @!p1 $0x5;
	s24 =	simm.s32 @p1 $0x0;
	[sflag:s28] =	ssyncadd.s32 @p1 $0xFFFF9C00  }
0x73: {  	[hbm4b:s25+s24] =	stream.linear.scatter @p1 [tilespmem:s1], [sflag:$0x7], $0x6400, $0x38;
	[tilespmem:$0x19640] =	vst v63  }
0x74: {  	s26 =	sshrl.u32 @!p1 s0, $0x3;
	_ =	swait.ge @!p1 [sflag:s11], $0x6400  }
0x75: {  	s26 =	sadd.s32 @!p1 s4, s26;
	[sflag:s11] =	ssyncset.done @!p1 $0x0  }
0x76: {  	s1 =	simm.s32 @!p1 $0x0;
	s24 =	simm.s32 @!p1 $0x9;
	[sflag:s11] =	ssyncadd.s32 @!p1 $0xFFFF9C00  }
0x77: {  	[tilespmem:s1], [sflag:$0x9] =	stream.linear.gather @!p1 [hbm4b:s26+s1], $0x190, $0x38;
	[tilespmem:$0x19640] =	vst v63  }
0x78: {  	_ =	swait.ge @!p1 [sflag:s24], $0x190  }
0x79: {  	s25 =	simm.s32 @!p1 $0x640;
	[sflag:s24] =	ssyncset.done @!p1 $0x0  }
0x7a: {  	s11 =	simm.s32 @!p1 $0x190;
	s26 =	simm.s32 @!p1 $0x3;
	[sflag:s24] =	ssyncadd.s32 @!p1 $0xFFFFFE70  }
0x7b: {  	[tilespmem:s25], [sflag:$0x1] =	stream.indirect.gather @!p1 [hbm4b:s5+s11], $0x40, s1, s11, $0xb8;
	[tilespmem:$0x19640] =	vst v63  }
0x7c: {  	_ =	swait.ge @!p1 [sflag:s26], $0x6400  }
0x7d: {  	s28 =	simm.s32 @!p1 $0x6;
	[sflag:s26] =	ssyncset.done @!p1 $0x0;
	s25 =	rddreg [dreg:$0x6]  }
0x7e: {  	[sflag:s26] =	ssyncadd.s32 @!p1 $0xFFFF9C00;
	s26 =	simm.s32 @!p1 $0xCE40;
	s25 =	sadd.s32 @!p1 s6, s25  }
0x7f: {  	[hbm4b:s25+s1] =	stream.linear.scatter @!p1 [tilespmem:s26], [sflag:$0x7], $0x6400, $0x38;
	[tilespmem:$0x19640] =	vst v63  }
0x80: {  	_ =	swait.ge @!p1 [sflag:s28], $0x6400  }
0x81: {  	s8 =	sadd.s32 $0x3200, s8;
	[sflag:s28] =	ssyncset.done @!p1 $0x0  }
0x82: {  	p0 =	sne.s32 s8, $0x32000;
	[sflag:s28] =	ssyncadd.s32 @!p1 $0xFFFF9C00  }
0x83: {  	[tilespmem:s11], [sflag:$0x9] =	stream.linear.gather @!p1 [hbm4b:s31+s1], $0x190, $0x38;
	[tilespmem:$0x19640] =	vst v63  }
.Ltmp0:
0x84: {  	_ =	swait.ge @!p1 [sflag:s24], $0x190;
	(pc) =	sbr.rel @p0 .LBB2_2-.Ltmp0, $4  }
0x85: {  	[sflag:s24] =	ssyncset.done @!p1 $0x0  }
0x86: {  	s7 =	sadd.s32 $0xC8, s7;
	s1 =	simm.s32 @!p1 $0x6A40;
	[sflag:s24] =	ssyncadd.s32 @!p1 $0xFFFFFE70  }
0x87: {  	[tilespmem:s1], [sflag:$0x2] =	stream.indirect.gather @!p1 [hbm4b:s5+s11], $0x40, s11, s11, $0xb8;
	[tilespmem:$0x19640] =	vst v63  }
0x88: {  	s0 =	sadd.s32 $0x640, s0;
	s31 =	sadd.s32 $0xC8, s31;
	_ =	swait.ge [sflag:s23], $0x6400  }
0x89: {  	s1 =	rddreg [dreg:$0x3];
	[sflag:s23] =	ssyncset.done $0x0;
	p0 =	seq.s32 s30, $0x0  }
0x8a: {  	[sflag:s23] =	ssyncadd.s32 $0xFFFF9C00;
	s1 =	sadd.s32 s6, s1;
	s6 =	simm.s32 @!p0 $0x7  }
0x8b: {  	[hbm4b:s1+s3] =	stream.linear.scatter [tilespmem:s21], [sflag:$0x8], $0x6400, $0x38;
	[tilespmem:$0x19640] =	vst v63  }
0x8c: {  	_ =	swait.ge @!p0 [sflag:s6], $0x6400  }
0x8d: {  	[sflag:s6] =	ssyncset.done @!p0 $0x0  }
0x8e: {  	[sflag:s6] =	ssyncadd.s32 @!p0 $0xFFFF9C00  }
0x8f: {  	[tilespmem:s18], [sflag:$0x9] =	stream.linear.gather [hbm4b:s7+s3], $0x190, $0x38;
	[tilespmem:$0x19640] =	vst v63  }
0x90: {  	_ =	swait.ge [sflag:s14], $0x190  }
0x91: {  	[sflag:s14] =	ssyncset.done $0x0  }
0x92: {  	s7 =	rddreg [dreg:$0x7];
	[sflag:s14] =	ssyncadd.s32 $0xFFFFFE70  }
0x93: {  	[tilespmem:s7], [sflag:$0x3] =	stream.indirect.gather [hbm4b:s5+s15], $0x40, s18, s15, $0xb8;
	[tilespmem:$0x19640] =	vst v63  }
0x94: {  	_ =	swait.ge [sflag:s19], $0x6400  }
0x95: {  	s8 =	rddreg [dreg:$0x4];
	[sflag:s19] =	ssyncset.done $0x0  }
0x96: {  	s6 =	simm.s32 @!p0 $0x8;
	[sflag:s19] =	ssyncadd.s32 $0xFFFF9C00;
	s1 =	sadd.s32 s30, s8  }
0x97: {  	[hbm4b:s1+s3] =	stream.linear.scatter [tilespmem:s16], [sflag:$0x5], $0x6400, $0x38;
	[tilespmem:$0x19640] =	vst v63  }
0x98: {  	_ =	swait.ge @!p0 [sflag:s6], $0x6400  }
0x99: {  	[sflag:s6] =	ssyncset.done @!p0 $0x0  }
0x9a: {  	s10 =	sadd.s32 $0xC8, s10;
	[sflag:s6] =	ssyncadd.s32 @!p0 $0xFFFF9C00  }
0x9b: {  	[tilespmem:s20], [sflag:$0x9] =	stream.linear.gather [hbm4b:s10+s3], $0x190, $0x38;
	[tilespmem:$0x19640] =	vst v63  }
0x9c: {  	_ =	swait.ge [sflag:s14], $0x190  }
0x9d: {  	[sflag:s14] =	ssyncset.done $0x0  }
0x9e: {  	[sflag:s14] =	ssyncadd.s32 $0xFFFFFE70  }
0x9f: {  	[tilespmem:s21], [sflag:$0x4] =	stream.indirect.gather [hbm4b:s5+s15], $0x40, s20, s15, $0xb8;
	[tilespmem:$0x19640] =	vst v63  }
0xa0: {  	p0 =	seq.s32 s30, $0x2EE00;
	_ =	swait.ge [sflag:s22], $0x6400  }
0xa1: {  	s6 =	sadd.s32 @p0 s30, s9;
	s11 =	rddreg [dreg:$0x5];
	[sflag:s22] =	ssyncset.done $0x0  }
0xa2: {  	s7 =	simm.s32 @p0 $0x3;
	s1 =	sadd.s32 s30, s11;
	[sflag:s22] =	ssyncadd.s32 $0xFFFF9C00  }
0xa3: {  	[hbm4b:s1+s3] =	stream.linear.scatter [tilespmem:s17], [sflag:$0x6], $0x6400, $0x38;
	[tilespmem:$0x19640] =	vst v63  }
0xa4: {  	s8 =	simm.s32 @p0 $0xCE40;
	s6 =	sadd.s32 @p0 $0x1900, s6;
	_ =	swait.ge @p0 [sflag:s7], $0x6400  }
0xa5: {  	s1 =	sand.u32 @p0 $0x1FFFE700, s6;
	s6 =	simm.s32 @p0 $0x0;
	[sflag:s7] =	ssyncset.done @p0 $0x0  }
0xa6: {  	s1 =	sadd.s32 @p0 s2, s1;
	[sflag:s7] =	ssyncadd.s32 @p0 $0xFFFF9C00;
	s7 =	simm.s32 @!p0 $0x5  }
0xa7: {  	[hbm4b:s1+s6] =	stream.linear.scatter @p0 [tilespmem:s8], [sflag:$0x7], $0x6400, $0x38;
	[tilespmem:$0x19640] =	vst v63  }
0xa8: {  	s0 =	sshrl.u32 @!p0 s0, $0x3;
	_ =	swait.ge @!p0 [sflag:s7], $0x6400  }
0xa9: {  	s0 =	sadd.s32 @!p0 s4, s0;
	[sflag:s7] =	ssyncset.done @!p0 $0x0  }
0xaa: {  	s1 =	simm.s32 @!p0 $0x0;
	s6 =	simm.s32 @!p0 $0x9;
	[sflag:s7] =	ssyncadd.s32 @!p0 $0xFFFF9C00  }
0xab: {  	[tilespmem:s1], [sflag:$0x9] =	stream.linear.gather @!p0 [hbm4b:s0+s1], $0x190, $0x38;
	[tilespmem:$0x19640] =	vst v63  }
0xac: {  	_ =	swait.ge @!p0 [sflag:s6], $0x190  }
0xad: {  	s8 =	simm.s32 @!p0 $0x3;
	[sflag:s6] =	ssyncset.done @!p0 $0x0  }
0xae: {  	s7 =	simm.s32 @!p0 $0x640;
	s0 =	simm.s32 @!p0 $0x190;
	[sflag:s6] =	ssyncadd.s32 @!p0 $0xFFFFFE70  }
0xaf: {  	[tilespmem:s7], [sflag:$0x1] =	stream.indirect.gather @!p0 [hbm4b:s5+s0], $0x40, s1, s0, $0xb8;
	[tilespmem:$0x19640] =	vst v63  }
0xb0: {  	_ =	swait.ge @!p0 [sflag:s8], $0x6400  }
0xb1: {  	s7 =	rddreg [dreg:$0x6];
	[sflag:s8] =	ssyncset.done @!p0 $0x0  }
0xb2: {  	[sflag:s8] =	ssyncadd.s32 @!p0 $0xFFFF9C00;
	s8 =	simm.s32 @!p0 $0xCE40;
	s7 =	sadd.s32 @!p0 s30, s7  }
0xb3: {  	[hbm4b:s7+s1] =	stream.linear.scatter @!p0 [tilespmem:s8], [sflag:$0x7], $0x6400, $0x38;
	[tilespmem:$0x19640] =	vst v63  }
0xb4: {  	s7 =	simm.s32 @!p0 $0x6  }
0xb5: {  	_ =	swait.ge @!p0 [sflag:s7], $0x6400  }
0xb6: {  	[sflag:s7] =	ssyncset.done @!p0 $0x0  }
0xb7: {  	[sflag:s7] =	ssyncadd.s32 @!p0 $0xFFFF9C00  }
0xb8: {  	[tilespmem:s0], [sflag:$0x9] =	stream.linear.gather @!p0 [hbm4b:s31+s1], $0x190, $0x38;
	[tilespmem:$0x19640] =	vst v63  }
0xb9: {  	_ =	swait.ge @!p0 [sflag:s6], $0x190  }
0xba: {  	[sflag:s6] =	ssyncset.done @!p0 $0x0  }
0xbb: {  	s1 =	simm.s32 @!p0 $0x6A40;
	[sflag:s6] =	ssyncadd.s32 @!p0 $0xFFFFFE70  }
0xbc: {  	[tilespmem:s1], [sflag:$0x2] =	stream.indirect.gather @!p0 [hbm4b:s5+s0], $0x40, s0, s0, $0xb8;
	[tilespmem:$0x19640] =	vst v63  }
0xbd: {  	_ =	swait.ge [sflag:s23], $0x6400  }
0xbe: {  	s24 =	rddreg [dreg:$0x3];
	[sflag:s23] =	ssyncset.done $0x0  }
0xbf: {  	s25 =	simm.s32 $0x5;
	s0 =	sadd.s32 s30, s24;
	[sflag:s23] =	ssyncadd.s32 $0xFFFF9C00  }
0xc0: {  	[hbm4b:s0+s3] =	stream.linear.scatter [tilespmem:s21], [sflag:$0x8], $0x6400, $0x38;
	[tilespmem:$0x19640] =	vst v63  }
0xc1: {  	_ =	swait.ge [sflag:s25], $0x6400  }
0xc2: {  	[sflag:s25] =	ssyncset.done $0x0  }
0xc3: {  	s26 =	simm.s32 $0x6;
	[sflag:s25] =	ssyncadd.s32 $0xFFFF9C00  }
0xc4: {  	_ =	swait.ge [sflag:s26], $0x6400  }
0xc5: {  	[sflag:s26] =	ssyncset.done $0x0  }
0xc6: {  	s28 =	simm.s32 $0x7;
	[sflag:s26] =	ssyncadd.s32 $0xFFFF9C00  }
0xc7: {  	_ =	swait.ge [sflag:s28], $0x6400  }
0xc8: {  	[sflag:s28] =	ssyncset.done $0x0  }
0xc9: {  	s30 =	simm.s32 $0x8;
	[sflag:s28] =	ssyncadd.s32 $0xFFFF9C00  }
0xca: {  	_ =	swait.ge [sflag:s30], $0x6400  }
0xcb: {  	s29 =	sadd.s32 $0x1, s29;
	s31 =	rddreg [dreg:$0xa]  }
0xcc: {  	p0 =	sne.s32 s29, s31  }
.Ltmp1:
0xcd: {  	_ = 	snop;
	(pc) =	sbr.rel @p0 .LBB2_1-.Ltmp1, $3  }
0xce: {  	_ =	sdelay $0x1  }
0xcf: {  	[sflag:s30] =	ssyncset.done $0x0  }
0xd0: {  	[sflag:s30] =	ssyncadd.s32 $0xFFFF9C00  }
0xd1: {  	_ =	sfence.sel $0x180000  }
0xd2: {  	[bflag:$0x0] =	sbarrier.arrive $0xFFFF  }
0xd3: {  	_ =	strace $0x90000047  }
0xd4: {  	s0 =	stileid.u32;
	[bflag:$0x2] =	sbarrier.arrive $0xFFFF  }
0xd5: {  	p0 =	sne.s32 s0, $0x0;
	s0 =	rddreg [dreg:$0x2]  }
0xd6: {  	s0 =	sadd.s32 @!p0 $0x100000, s0  }
0xd7: {  	[sflag:s0] =	ssyncadd.tile.s32 @!p0 $0x1;
	_ =	shalt  }
.Lfunc_end2:
_tile_overlayer_lowered:
.L_overlay_start_2:
0xd8: {  	(tag) =	ssettag $0x2  }
0xd9: {  	s0 =	rddreg [dreg:$0x0];
	s2 =	stileid.u32  }
0xda: {  	s1 =	rddreg [dreg:$0x1];
	p0 =	sne.s32 s2, $0x0  }
0xdb: {  	s3 =	rddreg [dreg:$0x2];
	[bflag:$0x3] =	sbarrier.arrive $0xFFFF;
	s2 =	simm.s32 @!p0 $0x1C09  }
0xdc: {  	[timem:s3], [sflag:s2] =	dma.local @!p0 [hbm:s0], s1  }
0xdd: {  	s0 =	simm.s32 @!p0 $0x9  }
0xde: {  	_ =	swait.ge @!p0 [sflag:s0], s1  }
0xdf: {  	s1 =	ssub.s32 @!p0 $0x0, s1;
	[sflag:s0] =	ssyncset.done @!p0 $0x0  }
0xe0: {  	[sflag:s0] =	ssyncadd.s32 @!p0 s1  }
0xe1: {  	[bflag:$0x3] =	sbarrier.arrive $0xFFFF  }
0xe2: {  	_ =	shalt  }

// kernel: sparse-core-data-format-call.cloned.1.call-start
scs
called_computation_lowered:
.L_overlay_start_0:
0x0: {  	s2 =	sld [smem:$0x3FD9]  }
0x1: {  	s3 =	sld [smem:$0x3FFE];
	_ =	sdelay $0x1  }
0x2: {  	s1 =	srdreg.scid  }
0x3: {  	s0 =	sand.u32 $0x1, s1  }
0x4: {  	s18 =	sshll.u32 s0, $0xA;
	s2 =	sadd.s32 s3, s2  }
0x5: {  	s2 =	sadd.s32 s2, s18  }
0x6: {  	[smem:$0x3FC6] =	sst s2  }
0x7: {  	_ = 	snop  }
0x8: {  	s2 =	sld [smem:$0x3FD0];
	(tm) =	ssettm $0x1  }
0x9: {  	s19 =	sld [smem:$0x3FFB];
	_ =	sdelay $0x3  }
0xa: {  	_ =	strace s19  }
0xb: {  	s3 =	sld [smem:$0x3FFC];
	_ =	sdelay $0x3  }
0xc: {  	_ =	strace s3  }
0xd: {  	s3 =	sld [smem:$0x3FFD];
	_ =	sdelay $0x3  }
0xe: {  	_ =	strace s3  }
0xf: {  	_ =	strace $0x8FFFFFFF  }
0x10: {  	s20 =	sld [smem:$0x3FDB];
	_ =	sdelay $0x1  }
0x11: {  	s4 =	simm.s32 $_scs_section_size  }
0x12: {  	s5 =	simm.s32 $_size__tile_overlayer_lowered;
	s6 =	simm.s32 $_tile_overlayer_lowered  }
0x13: {  	s23 =	simm.s32 $0x1BFF;
	s22 =	sshll.u32 s6, $0x1;
	s3 =	sadd.s32 s4, s20  }
0x14: {  	s7 =	simm.s32 $0x0;
	s21 =	sshll.u32 s5, $0x1;
	s5 =	sadd.s32 s22, s3  }
0x15: {  	[timem:s7], [sflag:s23] =	dma.local [hbm:s5], s21  }
0x16: {  	_ =	swait.ge [sflag:s23], s21  }
0x17: {  	s4 =	ssub.s32 $0x0, s21;
	[sflag:s23] =	ssyncset.done $0x0  }
0x18: {  	[sflag:s23] =	ssyncadd.s32 s4;
	_ =	sdelay $0x1  }
0x19: {  	s24 =	simm.s32 $0x1B8B  }
0x1a: {  	_ =	swait.ge [sflag:s24], $0x1  }
0x1b: {  	[sflag:s24] =	ssyncset.done $0x0  }
0x1c: {  	s26 =	simm.s32 $0x1B8E;
	s25 =	sld [smem:$0x3FFE];
	[sflag:s24] =	ssyncadd.s32 $0xFFFFFFFF  }
0x1d: {  	s27 =	simm.s32 $execute0_lowered;
	[smem:$0x3FD2] =	sst s26  }
0x1e: {  	s5 =	sshll.u32 s27, $0x1;
	_ =	strace $0x80000049;
	[dreg:$0x1] =	wrdreg $0xFFFFFFFF  }
0x1f: {  	s28 =	simm.s32 $_size_execute0_lowered;
	s3 =	sadd.s32 s3, s5;
	[dreg:$0x0] =	wrdreg $0x0  }
0x20: {  	s5 =	sshll.u32 s28, $0x1;
	[dreg:$0x2] =	wrdreg s3  }
0x21: {  	[dreg:$0x3] =	wrdreg s5  }
0x22: {  	[dreg:$0x4] =	wrdreg $0xC0  }
0x23: {  	_ =	task [dreg:s7], $0x5FFFF  }
0x24: {  	[dreg:$0x1] =	wrdreg $0xFFFFFFFF  }
0x25: {  	[dreg:$0x0] =	wrdreg $0x60  }
0x26: {  	[dreg:$0x2] =	wrdreg s25  }
0x27: {  	[dreg:$0x3] =	wrdreg s2  }
0x28: {  	[dreg:$0x4] =	wrdreg $0x9  }
0x29: {  	_ =	task.clear_ibuf [dreg:s7], $0x5FFFF;
	_ =	strace $0x90000049  }
0x2a: {  	s29 =	simm.s32 $0x9;
	_ =	strace $0x8000004B  }
0x2b: {  	_ =	swait.ge [sflag:s29], $0x1  }
0x2c: {  	[sflag:s29] =	ssyncadd.s32 $0xFFFFFFFF  }
0x2d: {  	_ =	strace $0x9000004B  }
0x2e: {  	_ =	sfence  }
0x2f: {  	s30 =	sld [smem:$0x0];
	_ =	sdelay $0x2  }
0x30: {  	s31 =	sshll.u32 s1, $0xD;
	s1 =	sshrl.u32 s1, $0x2  }
0x31: {  	s3 =	sand.u32 $0x4000, s31;
	s1 =	sadd.s32 s1, s30  }
0x32: {  	s0 =	sor.u32 s3, s0;
	s1 =	sshll.u32 s1, $0x11  }
0x33: {  	s0 =	sor.u32 s1, s0  }
0x34: {  	s0 =	sadd.s32 $0x8F2B, s0  }
0x35: {  	[sflag:s0] =	ssyncadd.remote.s32 $0x1  }
0x36: {  	_ =	sfence.sel $0xFFFF  }
0x37: {  	[dreg:$0x0] =	wrdreg $0xFFFFFFFF;
	(pc) =	sbr.abs _section_cstart, $3  }
0x38: {  	[dreg:$0x1] =	wrdreg $0xFFFFFFFF  }
0x39: {  	_ =	task.clear_ibuf [dreg:s7], $0x2FFFF;
	_ =	strace $0x9FFFFFFF  }
0x3a: {  	(tm) =	ssettm $0x7FFFFFFF  }
0x3b: {  	_ =	shalt  }
tec
execute0_lowered:
.L_overlay_start_1:
0x0: {  	(tag) =	ssettag $0x1  }
0x1: {  	s0 =	srdreg.scid  }
0x2: {  	s1 =	sshll.u32 s0, $0x4  }
0x3: {  	s0 =	stileid.u32;
	s1 =	sand.u32 $0x10, s1  }
0x4: {  	s1 =	sor.u32 s0, s1  }
0x5: {  	s6 =	rddreg [dreg:$0x0];
	s4 =	simm.s32 $0x1;
	s2 =	sshll.u32 s1, $0x7  }
0x6: {  	s7 =	simm.s32 $0x2;
	s12 =	simm.s32 $0x0;
	s1 =	ssub.s32 $0x1000, s2  }
0x7: {  	s8 =	simm.s32 $0x8000;
	s13 =	simm.s32 $0x0;
	s3 =	sand.u32 $0xF80, s1  }
0x8: {  	s9 =	simm.s32 $0x0;
	s5 =	sshrl.u32 s1, $0xC;
	p0 =	sne.s32 s3, $0x0  }
.Ltmp0:
0x9: {  	s1 =	rddreg [dreg:$0x2];
	s4 =	simm.s32 @!p0 $0x0;
	(pc) =	sbr.rel .LBB1_1-.Ltmp0, $4  }
0xa: {  	s11 =	simm.s32 $0x0;
	s3 =	rddreg [dreg:$0x1];
	s5 =	sadd.s32 s4, s5  }
0xb: {  	_ =	strace $0x8000004A;
	s4 =	simm.s32 $0x1;
	s5 =	smul.u32 $0xC8, s5  }
0xc: {  	s6 =	sadd.s32 $0xA00, s6;
	s10 =	smov.u32 s2;
	[sflag:s4] =	ssyncpa.u1 $0x0  }
0xd: {  	p0 =	por $0x0, $0x0;
	[sflag:s7] =	ssyncpa.u1 $0x0;
	s7 =	sor.u32 $0x1, s5  }
.LBB1_4:
0xe: {  	s16 =	sshll.u32 s13, $0x3;
	s17 =	sand.u32 $0x78, s13  }
0xf: {  	s30 =	sand.u32 $0x7E00, s13;
	s12 =	sshll.u32 s12, $0xF;
	s16 =	sand.u32 $0xC00, s16  }
0x10: {  	[tilespmem:s15+$0x810 ss:$0x81] =	vst.msk $0xffff, v2;
	s31 =	sand.u32 $0x7, s13;
	s16 =	sor.u32 s17, s16;
	s17 =	sadd.s32 s3, s30  }
0x11: {  	[tilespmem:s15+$0x1020 ss:$0x81] =	vst.msk $0xffff, v0;
	s13 =	sshll.u32 s31, $0x12;
	s12 =	sadd.s32 s12, s17;
	s16 =	sshrl.u32 s16, $0x3  }
0x12: {  	[tilespmem:s15+$0x0 ss:$0x81] =	vst.msk $0xffff, v1;
	s13 =	sor.u32 $0x400, s13;
	s12 =	sadd.s32 s16, s12  }
0x13: {  	[hbm4b:s12+s13] =	stream.strided.scatter [tilespmem:s14], [sflag:$0x2], $0x2000, s8, s13, $0x20;
	[tilespmem:$0x8080] =	vst v63  }
.LBB1_5:
0x14: {  	s14 =	sadd.s32 $0x1, s9  }
0x15: {  	s12 =	sadd.s32 $0x1000, s10;
	s16 =	smov.u32 s10;
	p2 =	sgt.s32 s14, $0xC7  }
0x16: {  	s16 =	smov.u32 @p2 s12  }
0x17: {  	s14 =	simm.s32 @p2 $0x0;
	p2 =	sgt.s32 s16, $0xFFF  }
0x18: {  	s16 =	smov.u32 @p2 s2;
	p2 =	sne.s32 s11, s7  }
.Ltmp1:
0x19: {  	p1 =	slt.u32 s11, $0x2;
	(pc) =	sbr.rel @!p2 .LBB1_6-.Ltmp1, $4  }
0x1a: {  	s15 =	simm.s32 @!p1 $0x2  }
0x1b: {  	s13 =	smov.u32 s10;
	p0 =	por !p0, !p0;
	_ =	swait.ge @!p1 [sflag:s15], $0x2000  }
0x1c: {  	s12 =	smov.u32 s9;
	[sflag:s15] =	ssyncset.done @!p1 $0x0;
	s9 =	smov.u32 s14  }
0x1d: {  	s11 =	sadd.s32 $0x1, s11;
	[sflag:s15] =	ssyncadd.s32 @!p1 $0xFFFFE000;
	s10 =	smov.u32 s16  }
.LBB1_1:
0x1e: {  	p1 =	sge.u32 s11, s5  }
0x1f: {  	s14 =	sand.u32 @!p1 $0x1FFFFFF, s9  }
0x20: {  	s15 =	smulhi.u32 @!p1 $0x147AE15, s14;
	_ =	sdelay $0x1  }
0x21: {  	s15 =	smul.u32 @!p1 $0xC8, s15  }
0x22: {  	s16 =	sxor.u32 @!p1 $0xFFFFFFFF, s11;
	s17 =	smul.u32 @!p1 $0xC80, s10  }
0x23: {  	s31 =	sadd.s32 $0xFFFFFFFF, s11;
	s16 =	sshll.u32 @!p1 s16, $0xD;
	s14 =	ssub.s32 @!p1 s14, s15  }
0x24: {  	s15 =	sand.u32 @!p1 $0x2000, s16;
	s16 =	sadd.s32 @!p1 s6, s17;
	s14 =	sshll.u32 @!p1 s14, $0x4  }
0x25: {  	s17 =	simm.s32 @!p1 $0x6400;
	s14 =	sadd.s32 @!p1 s14, s16;
	s16 =	simm.s32 @!p1 $0x40  }
0x26: {  	[tilespmem:s15], [sflag:$0x1] =	stream.strided.gather @!p1 [hbm4b:s14+s16], $0x2000, s17, s16, $0x38;
	[tilespmem:$0x8080] =	vst v63  }
0x27: {  	p1 =	sge.u32 s31, s5  }
.Ltmp2:
0x28: {  	_ = 	snop;
	(pc) =	sbr.rel @p1 .LBB1_5-.Ltmp2, $1  }
0x29: {  	_ =	sdelay $0x3  }
0x2a: {  	s14 =	simm.s32 $0x1  }
0x2b: {  	_ =	swait.ge [sflag:s4], $0x2000;
	s14 =	simm.s32 @!p0 $0x0  }
0x2c: {  	[sflag:s4] =	ssyncset.done $0x0;
	s15 =	sshll.u32 s14, $0xD  }
0x2d: {  	[sflag:s4] =	ssyncadd.s32 $0xFFFFE000;
	s18 =	sor.u32 $0x20, s15  }
0x2e: {  	s14 =	smul.u32 $0x8100, s14;
	v3 =	vld [tilespmem:s18+$0x10]  }
0x2f: {  	s30 =	sand.u32 $0x1, s11;
	v2 =	vld [tilespmem:s18+$0xFFFFFFF0]  }
0x30: {  	s15 =	smul.u32 $0x8100, s30;
	s14 =	sshrl.u32 s14, $0x2;
	v0 =	vld [tilespmem:s18+$0x0]  }
0x31: {  	v1 =	vld [tilespmem:s18+$0xFFFFFFE0];
	s16 =	sor.u32 $0x4000, s14  }
0x32: {  	s31 =	sshrl.u32 s15, $0x2;
	s15 =	sadd.s32 $0x0, s16  }
0x33: {  	s17 =	simm.s32 $0x4;
	s18 =	sadd.s32 $0x40, s18;
	s14 =	sor.u32 $0x4000, s31;
	[tilespmem:s15+$0x1830 ss:$0x81] =	vst.msk $0xffff, v3  }
.LBB1_3:
0x34: {  	v3 =	vld [tilespmem:s18+$0x10];
	p1 =	sne.s32 s17, $0x1FC;
	[tilespmem:s15+$0x810 ss:$0x81] =	vst.msk $0xffff, v2;
	s19 =	smov.u32 s17;
	s17 =	sadd.s32 $0x4, s17  }
.Ltmp3:
0x35: {  	v2 =	vld [tilespmem:s18+$0xFFFFFFF0];
	[tilespmem:s15+$0x1020 ss:$0x81] =	vst.msk $0xffff, v0;
	(pc) =	sbr.rel @p1 .LBB1_3-.Ltmp3, $4  }
0x36: {  	v0 =	vld [tilespmem:s18+$0x0];
	[tilespmem:s15+$0x0 ss:$0x81] =	vst.msk $0xffff, v1  }
0x37: {  	s15 =	sshra.s32 s19, $0x2;
	v1 =	vld [tilespmem:s18+$0xFFFFFFE0]  }
0x38: {  	s15 =	sadd.s32 s15, s16  }
0x39: {  	s18 =	sadd.s32 $0x40, s18;
	[tilespmem:s15+$0x1830 ss:$0x81] =	vst.msk $0xffff, v3  }
.Ltmp4:
0x3a: {  	_ = 	snop;
	(pc) =	sbr.rel .LBB1_4-.Ltmp4, $1  }
0x3b: {  	_ =	sdelay $0x3  }
.LBB1_6:
0x3c: {  	_ =	sfence.sel $0x180000  }
0x3d: {  	s2 =	simm.s32 $0x1;
	[bflag:$0x0] =	sbarrier.arrive $0xFFFF  }
0x3e: {  	s31 =	simm.s32 $0x2;
	[sflag:s2] =	ssyncpa.u1 $0x1  }
0x3f: {  	[sflag:s31] =	ssyncpa.u1 $0x1  }
0x40: {  	p0 =	sne.s32 s0, $0x0;
	_ =	strace $0x9000004A  }
0x41: {  	s0 =	sadd.s32 @!p0 $0x100000, s1;
	[bflag:$0x2] =	sbarrier.arrive $0xFFFF  }
0x42: {  	[sflag:s0] =	ssyncadd.tile.s32 @!p0 $0x1;
	_ =	shalt  }
.Lfunc_end1:
_tile_overlayer_lowered:
.L_overlay_start_2:
0x43: {  	(tag) =	ssettag $0x2  }
0x44: {  	s0 =	rddreg [dreg:$0x0];
	s2 =	stileid.u32  }
0x45: {  	s1 =	rddreg [dreg:$0x1];
	p0 =	sne.s32 s2, $0x0  }
0x46: {  	s3 =	rddreg [dreg:$0x2];
	[bflag:$0x3] =	sbarrier.arrive $0xFFFF;
	s2 =	simm.s32 @!p0 $0x1C01  }
0x47: {  	[timem:s3], [sflag:s2] =	dma.local @!p0 [hbm:s0], s1  }
0x48: {  	s0 =	simm.s32 @!p0 $0x1  }
0x49: {  	_ =	swait.ge @!p0 [sflag:s0], s1  }
0x4a: {  	s1 =	ssub.s32 @!p0 $0x0, s1;
	[sflag:s0] =	ssyncset.done @!p0 $0x0  }
0x4b: {  	[sflag:s0] =	ssyncadd.s32 @!p0 s1  }
0x4c: {  	[bflag:$0x3] =	sbarrier.arrive $0xFFFF  }
0x4d: {  	_ =	shalt  }

</sc_bundles>
